<compile_context>
chip_gen: v7x
topology: tpu7x:2x2x1
jax: 0.10.2.dev20260603
libtpu: 0.0.44.dev20260713+nightly
codegen_flags: <defaults>
</compile_context>

<pallas_src>
import functools

import jax
import jax.numpy as jnp
from jax import lax
from jax.experimental import pallas as pl
from jax.experimental.pallas import tpu as pltpu
from jax.experimental.pallas import tpu_sc as plsc

N = 10000
NT = 10240
E = 320000
EP = 327680
EROWS = EP // 128
ROWS_PER_TILE = EROWS // 16
DEG_ROWS_PER_TILE = EROWS // 32
NODES_PER_TILE = NT // 16

_MESH = plsc.VectorSubcoreMesh(core_axis_name="c", subcore_axis_name="s")



@functools.partial(
    pl.kernel,
    out_type=jax.ShapeDtypeStruct((2, NT), jnp.float32),
    mesh=_MESH,
    scratch_types=[
        pltpu.VMEM_SHARED((NT,), jnp.float32),
        pltpu.VMEM((DEG_ROWS_PER_TILE, 128), jnp.int32),
        pltpu.VMEM((128,), jnp.float32),
    ],
)
def _deg_kernel(dst_hbm, ones_hbm, zeros1_hbm, deg_out, deg_sh, idx_v, ones_v):
    c = lax.axis_index("c")
    s = lax.axis_index("s")
    pltpu.sync_copy(zeros1_hbm, deg_sh.at[pl.ds(s * NODES_PER_TILE, NODES_PER_TILE)])
    row0 = c * (EROWS // 2) + s * DEG_ROWS_PER_TILE
    pltpu.sync_copy(dst_hbm.at[pl.ds(row0, DEG_ROWS_PER_TILE)], idx_v)
    pltpu.sync_copy(ones_hbm, ones_v)
    plsc.subcore_barrier()

    def body(j, carry):
        pltpu.sync_copy(ones_v, deg_sh.at[idx_v.at[j]], add=True)
        return carry

    lax.fori_loop(0, DEG_ROWS_PER_TILE, body, 0)
    plsc.subcore_barrier()
    pltpu.sync_copy(
        deg_sh.at[pl.ds(s * NODES_PER_TILE, NODES_PER_TILE)],
        deg_out.at[c, pl.ds(s * NODES_PER_TILE, NODES_PER_TILE)],
    )



def _make_edge_kernel(edge_split, dtype=jnp.float32):
    R0_ROWS = 2176
    PT0, PT1 = R0_ROWS // 16, (EROWS - R0_ROWS) // 16
    SLAB = 32 if not edge_split else 8
    if not edge_split:
        assert ROWS_PER_TILE % SLAB == 0
    else:
        assert PT0 % SLAB == 0 and PT1 % SLAB == 0

    @functools.partial(
        pl.kernel,
        out_type=jax.ShapeDtypeStruct((2, NT, 128), dtype),
        mesh=_MESH,
        scratch_types=[
            pltpu.VMEM_SHARED((NT, 128), dtype),
            pltpu.VMEM((SLAB, 128), jnp.int32),
            pltpu.VMEM((SLAB, 128), jnp.int32),
            pltpu.VMEM((2, 128, 128), dtype),
            pltpu.SemaphoreType.DMA,
            pltpu.SemaphoreType.DMA,
            pltpu.SemaphoreType.DMA,
            pltpu.SemaphoreType.DMA,
        ],
    )
    def edge_kernel(table_hbm, src2_hbm, dst_hbm, zeros_hbm, acc_out,
                    acc_sh, src_idx, dst_idx, rows_v, semg0, semg1, sems0, sems1):
        c = lax.axis_index("c")
        s = lax.axis_index("s")
        pltpu.sync_copy(zeros_hbm, acc_sh.at[pl.ds(s * NODES_PER_TILE, NODES_PER_TILE)])
        plsc.subcore_barrier()
        if edge_split:
            r0 = jnp.where(c == 0, s * PT0, R0_ROWS + s * PT1)
            nslab = jnp.where(c == 0, PT0 // SLAB, PT1 // SLAB)
        else:
            r0 = s * ROWS_PER_TILE
            nslab = ROWS_PER_TILE // SLAB

        def slab_body(t, carry):
            pltpu.sync_copy(src2_hbm.at[c, pl.ds(r0 + t * SLAB, SLAB)], src_idx)
            pltpu.sync_copy(dst_hbm.at[pl.ds(r0 + t * SLAB, SLAB)], dst_idx)
            pltpu.async_copy(table_hbm.at[src_idx.at[0]], rows_v.at[0], semg0)
            pltpu.async_copy(table_hbm.at[src_idx.at[1]], rows_v.at[1], semg1)

            def body(jp, carry2):
                j = jp * 2
                pltpu.make_async_copy(table_hbm.at[src_idx.at[j]],
                                      rows_v.at[0], semg0).wait()
                cp0 = pltpu.async_copy(rows_v.at[0], acc_sh.at[dst_idx.at[j]],
                                       sems0, add=True)
                pltpu.make_async_copy(table_hbm.at[src_idx.at[j + 1]],
                                      rows_v.at[1], semg1).wait()
                cp1 = pltpu.async_copy(rows_v.at[1], acc_sh.at[dst_idx.at[j + 1]],
                                       sems1, add=True)
                cp0.wait()

                @pl.when(j + 2 < SLAB)
                def _():
                    pltpu.async_copy(table_hbm.at[src_idx.at[j + 2]],
                                     rows_v.at[0], semg0)

                cp1.wait()

                @pl.when(j + 3 < SLAB)
                def _():
                    pltpu.async_copy(table_hbm.at[src_idx.at[j + 3]],
                                     rows_v.at[1], semg1)

                return carry2

            lax.fori_loop(0, SLAB // 2, body, 0)
            return carry

        lax.fori_loop(0, nslab, slab_body, 0)
        plsc.subcore_barrier()
        pltpu.sync_copy(
            acc_sh.at[pl.ds(s * NODES_PER_TILE, NODES_PER_TILE)],
            acc_out.at[c, pl.ds(s * NODES_PER_TILE, NODES_PER_TILE)],
        )

    return edge_kernel


_edge_kernel_l1 = _make_edge_kernel(edge_split=False)
_edge_kernel_l2 = _make_edge_kernel(edge_split=True)



_BLK = 512
_GRID = NT // _BLK


def _tc1_body(x_ref, w1_ref, deg_ref, hs_ref):
    d = deg_ref[:, 0:1] + deg_ref[:, 1:2] + 1.0
    dinv = lax.rsqrt(d)
    h = jnp.dot(x_ref[...], w1_ref[...], preferred_element_type=jnp.float32)
    hsc = (h * dinv).astype(hs_ref.dtype)
    hs_ref[0] = hsc[:, :128]
    hs_ref[1] = hsc[:, 128:]


def _tc1(x_pad, W1, degT):
    return pl.pallas_call(
        _tc1_body,
        grid=(_GRID,),
        in_specs=[
            pl.BlockSpec((_BLK, 128), lambda i: (i, 0)),
            pl.BlockSpec((128, 256), lambda i: (0, 0)),
            pl.BlockSpec((_BLK, 2), lambda i: (i, 0)),
        ],
        out_specs=pl.BlockSpec((2, _BLK, 128), lambda i: (0, i, 0)),
        out_shape=jax.ShapeDtypeStruct((2, NT, 128), jnp.float32),
    )(x_pad, W1, degT)


def _tc2_body(acc_ref, hs_ref, deg_ref, b1_ref, w2_ref, h2s_ref):
    d = deg_ref[:, 0:1] + deg_ref[:, 1:2] + 1.0
    dinv = lax.rsqrt(d)
    u = jnp.concatenate(
        [acc_ref[1].astype(jnp.float32) + hs_ref[0].astype(jnp.float32),
         acc_ref[0].astype(jnp.float32) + hs_ref[1].astype(jnp.float32)], axis=1)
    out1 = dinv * u + b1_ref[...]
    r = jnp.maximum(out1, 0.0)
    h2 = jnp.dot(r, w2_ref[...], preferred_element_type=jnp.float32)
    hsc = h2 * dinv
    h2s_ref[0] = hsc
    h2s_ref[1] = hsc


def _tc2(acc1, hs, degT, b1_2d, W2):
    return pl.pallas_call(
        _tc2_body,
        grid=(_GRID,),
        in_specs=[
            pl.BlockSpec((2, _BLK, 128), lambda i: (0, i, 0)),
            pl.BlockSpec((2, _BLK, 128), lambda i: (0, i, 0)),
            pl.BlockSpec((_BLK, 2), lambda i: (i, 0)),
            pl.BlockSpec((1, 256), lambda i: (0, 0)),
            pl.BlockSpec((256, 128), lambda i: (0, 0)),
        ],
        out_specs=pl.BlockSpec((2, _BLK, 128), lambda i: (0, i, 0)),
        out_shape=jax.ShapeDtypeStruct((2, NT, 128), jnp.float32),
    )(acc1, hs, degT, b1_2d, W2)


def _tc3_body(acc_ref, h2s_ref, deg_ref, b2_ref, out_ref):
    d = deg_ref[:, 0:1] + deg_ref[:, 1:2] + 1.0
    dinv = lax.rsqrt(d)
    u = acc_ref[0] + acc_ref[1] + h2s_ref[...]
    out_ref[...] = dinv * u + b2_ref[...]


def _tc3(acc2, h2s, degT, b2_2d):
    return pl.pallas_call(
        _tc3_body,
        grid=(_GRID,),
        in_specs=[
            pl.BlockSpec((2, _BLK, 128), lambda i: (0, i, 0)),
            pl.BlockSpec((_BLK, 128), lambda i: (i, 0)),
            pl.BlockSpec((_BLK, 2), lambda i: (i, 0)),
            pl.BlockSpec((1, 128), lambda i: (0, 0)),
        ],
        out_specs=pl.BlockSpec((_BLK, 128), lambda i: (i, 0)),
        out_shape=jax.ShapeDtypeStruct((NT, 128), jnp.float32),
    )(acc2, h2s, degT, b2_2d)



def kernel(x, edge_index, W1, b1, W2, b2):
    src = edge_index[0].astype(jnp.int32)
    dst = edge_index[1].astype(jnp.int32)

    pad = jnp.full((EP - E,), N, dtype=jnp.int32)
    src_p = jnp.concatenate([src, pad])
    dst_p = jnp.concatenate([dst, pad])
    src2 = jnp.stack([src_p + NT, src_p]).reshape(2, EROWS, 128)
    src_r = src_p.reshape(EROWS, 128)
    dst_r = dst_p.reshape(EROWS, 128)
    x_pad = jnp.pad(x, ((0, NT - N), (0, 0)))

    ones128 = jnp.ones((128,), jnp.float32)
    zeros1 = jnp.zeros((NODES_PER_TILE,), jnp.float32)
    zeros128 = jnp.zeros((NODES_PER_TILE, 128), jnp.float32)

    deg2 = _deg_kernel(dst_r, ones128, zeros1)
    degT = deg2.T

    hs = _tc1(x_pad, W1, degT)
    acc1 = _edge_kernel_l1(hs.reshape(2 * NT, 128), src2, dst_r, zeros128)
    h2s = _tc2(acc1, hs, degT, b1.reshape(1, 256), W2)
    acc2 = _edge_kernel_l2(h2s.reshape(2 * NT, 128), src2, dst_r, zeros128)
    out = _tc3(acc2, h2s[0], degT, b2.reshape(1, 128))
    return out[:N]

# --- scband reference (transcript-rebuilt; emitter-appended) ---
"""Pipeline reference for scband-gcnencoder-80625126080940 (READ-ONLY COPY).

The authoritative reference and input builder live on the scoring server;
editing this copy changes nothing except your own understanding.
"""

import jax, jax.numpy as jnp
import numpy as np

N_NODES = 10000
N_EDGES = 320000
IN_CH = 128
OUT_CH = 128
HID = 2 * OUT_CH


def setup_inputs(seed: int = 0) -> dict:
    key = jax.random.key(seed)
    k1, k2, k3, k4, k5, k6 = jax.random.split(key, 6)
    x = jax.random.normal(k1, (N_NODES, IN_CH), dtype=jnp.float32)
    edge_index = jax.random.randint(k2, (2, N_EDGES), 0, N_NODES, dtype=jnp.int64)
    # glorot-style init for GCN layer weights, zeros bias (PyG default)
    W1 = jax.random.normal(k3, (IN_CH, HID), dtype=jnp.float32) * (1.0 / np.sqrt(IN_CH))
    b1 = jnp.zeros((HID,), dtype=jnp.float32)
    W2 = jax.random.normal(k4, (HID, OUT_CH), dtype=jnp.float32) * (1.0 / np.sqrt(HID))
    b2 = jnp.zeros((OUT_CH,), dtype=jnp.float32)
    return {"x": x, "edge_index": edge_index, "W1": W1, "b1": b1, "W2": W2, "b2": b2}


def _gcn_conv(x, src, dst, W, b):
    # x' = D^{-1/2} (A + I) D^{-1/2} X W + b  (PyG GCNConv semantics)
    num_nodes = x.shape[0]
    h = x @ W
    deg = jnp.zeros((num_nodes,), dtype=h.dtype).at[dst].add(1.0)
    deg_inv_sqrt = jnp.where(deg > 0, deg ** -0.5, 0.0)
    norm = deg_inv_sqrt[src] * deg_inv_sqrt[dst]
    msgs = h[src] * norm[:, None]
    out = jnp.zeros_like(h).at[dst].add(msgs)
    return out + b


def reference(x, edge_index, W1, b1, W2, b2):
    num_nodes = x.shape[0]
    loop = jnp.arange(num_nodes, dtype=edge_index.dtype)
    src = jnp.concatenate([edge_index[0], loop])
    dst = jnp.concatenate([edge_index[1], loop])
    h = _gcn_conv(x, src, dst, W1, b1)
    h = jax.nn.relu(h)
    out = _gcn_conv(h, src, dst, W2, b2)
    return out

if __name__ == "__main__":
    import jax
    _d = setup_inputs()
    print(jax.jit(kernel)(*tuple(_d.values())))

</pallas_src>

<mosaic_0001>
#map = affine_map<(d0, d1) -> (0, 0)>
#map1 = affine_map<(d0, d1) -> (0)>
module attributes {stable_mosaic.version = 14 : i64} {
  func.func @_deg_kernel(%arg0: i32, %arg1: i32, %arg2: memref<2560x128xi32, #tpu.memory_space<hbm>>, %arg3: memref<128xf32, #tpu.memory_space<hbm>>, %arg4: memref<640xf32, #tpu.memory_space<hbm>>, %arg5: memref<2x10240xf32, #tpu.memory_space<hbm>>, %arg6: memref<10240xf32, #tpu.memory_space<vmem_shared>>, %arg7: memref<80x128xi32, #tpu.memory_space<vmem>>, %arg8: memref<128xf32, #tpu.memory_space<vmem>>) attributes {dimension_semantics = [#tpu.dimension_semantics<core_parallel>, #tpu.dimension_semantics<subcore_parallel>], iteration_bounds = array<i64: 2, 16>, scalar_prefetch = 0 : i64, scratch_operands = 3 : i64, tpu.core_type = #tpu.core_type<sc_vector_subcore>, window_params = [{transform_indices = #map}, {transform_indices = #map1}, {transform_indices = #map1}, {transform_indices = #map}]} {
    %mul3A = arith.constant 640 : i32
    %mul3A_0 = arith.muli %arg1, %mul3A : i32
    "tpu.region"() ({
      %run_scoped3A = tpu.sem_alloc : memref<!tpu.dma_semaphore, #tpu.memory_space<semaphore_mem>>
      %dma_start3A = tpu.memref_slice %arg6[%mul3A_0] : memref<10240xf32, #tpu.memory_space<vmem_shared>> -> memref<640xf32, #tpu.memory_space<vmem_shared>>
      tpu.enqueue_dma source(%arg4 : memref<640xf32, #tpu.memory_space<hbm>>) target(%dma_start3A : memref<640xf32, #tpu.memory_space<vmem_shared>>) target_semaphore(%run_scoped3A : memref<!tpu.dma_semaphore, #tpu.memory_space<semaphore_mem>>)
      %dma_wait3A = tpu.memref_slice %arg6[%mul3A_0] : memref<10240xf32, #tpu.memory_space<vmem_shared>> -> memref<640xf32, #tpu.memory_space<vmem_shared>>
      tpu.wait_dma2 semaphore(%run_scoped3A : memref<!tpu.dma_semaphore, #tpu.memory_space<semaphore_mem>>) src(%arg4 : memref<640xf32, #tpu.memory_space<hbm>>) dst(%dma_wait3A : memref<640xf32, #tpu.memory_space<vmem_shared>>)
      tpu.yield
    }) : () -> ()
    %mul3A_1 = arith.constant 1280 : i32
    %mul3A_2 = arith.muli %arg0, %mul3A_1 : i32
    %mul3A_3 = arith.constant 80 : i32
    %mul3A_4 = arith.muli %arg1, %mul3A_3 : i32
    %add3A = arith.addi %mul3A_2, %mul3A_4 : i32
    "tpu.region"() ({
      %run_scoped3A = tpu.sem_alloc : memref<!tpu.dma_semaphore, #tpu.memory_space<semaphore_mem>>
      %dma_start3A = arith.constant 0 : i32
      %dma_start3A_15 = tpu.memref_slice %arg2[%add3A, %dma_start3A] : memref<2560x128xi32, #tpu.memory_space<hbm>> -> memref<80x128xi32, #tpu.memory_space<hbm>>
      %dma_start3A_16 = arith.constant 0 : i32
      %dma_start3A_17 = tpu.memref_slice %arg2[%add3A, %dma_start3A_16] : memref<2560x128xi32, #tpu.memory_space<hbm>> -> memref<80x128xi32, #tpu.memory_space<hbm>>
      tpu.enqueue_dma source(%dma_start3A_17 : memref<80x128xi32, #tpu.memory_space<hbm>>) target(%arg7 : memref<80x128xi32, #tpu.memory_space<vmem>>) target_semaphore(%run_scoped3A : memref<!tpu.dma_semaphore, #tpu.memory_space<semaphore_mem>>)
      %dma_wait3A = arith.constant 0 : i32
      %dma_wait3A_18 = tpu.memref_slice %arg2[%add3A, %dma_wait3A] : memref<2560x128xi32, #tpu.memory_space<hbm>> -> memref<80x128xi32, #tpu.memory_space<hbm>>
      %dma_wait3A_19 = arith.constant 0 : i32
      %dma_wait3A_20 = tpu.memref_slice %arg2[%add3A, %dma_wait3A_19] : memref<2560x128xi32, #tpu.memory_space<hbm>> -> memref<80x128xi32, #tpu.memory_space<hbm>>
      tpu.wait_dma2 semaphore(%run_scoped3A : memref<!tpu.dma_semaphore, #tpu.memory_space<semaphore_mem>>) src(%dma_wait3A_20 : memref<80x128xi32, #tpu.memory_space<hbm>>) dst(%arg7 : memref<80x128xi32, #tpu.memory_space<vmem>>)
      tpu.yield
    }) : () -> ()
    "tpu.region"() ({
      %run_scoped3A = tpu.sem_alloc : memref<!tpu.dma_semaphore, #tpu.memory_space<semaphore_mem>>
      tpu.enqueue_dma source(%arg3 : memref<128xf32, #tpu.memory_space<hbm>>) target(%arg8 : memref<128xf32, #tpu.memory_space<vmem>>) target_semaphore(%run_scoped3A : memref<!tpu.dma_semaphore, #tpu.memory_space<semaphore_mem>>)
      tpu.wait_dma2 semaphore(%run_scoped3A : memref<!tpu.dma_semaphore, #tpu.memory_space<semaphore_mem>>) src(%arg3 : memref<128xf32, #tpu.memory_space<hbm>>) dst(%arg8 : memref<128xf32, #tpu.memory_space<vmem>>)
      tpu.yield
    }) : () -> ()
    %barrier3A = arith.constant 0 : index
    tpu.barrier barrier_id(%barrier3A)
    %scan3A = arith.constant 0 : i32
    %scan3A_5 = arith.constant 0 : i32
    %scan3A_6 = arith.constant 80 : i32
    %scan3A_7 = arith.addi %scan3A_5, %scan3A_6 : i32
    %scan3A_8 = arith.constant 1 : i32
    scf.for %scan3A_15 = %scan3A_5 to %scan3A_7 step %scan3A_8  : i32 {
      "tpu.region"() ({
        %run_scoped3A = tpu.sem_alloc : memref<!tpu.dma_semaphore, #tpu.memory_space<semaphore_mem>>
        %dma_start3A = arith.constant 0 : i32
        %dma_start3A_16 = tpu.memref_slice %arg7[%scan3A_15, %dma_start3A] : memref<80x128xi32, #tpu.memory_space<vmem>> -> memref<1x128xi32, #tpu.memory_space<vmem>>
        %dma_start3A_17 = tpu.memref_squeeze %dma_start3A_16 : memref<1x128xi32, #tpu.memory_space<vmem>> -> memref<128xi32, #tpu.memory_space<vmem>>
        %dma_start3A_18 = arith.constant 0 : i32
        %dma_start3A_19 = tpu.memref_slice %arg6[%dma_start3A_18] : memref<10240xf32, #tpu.memory_space<vmem_shared>> -> memref<10240xf32, #tpu.memory_space<vmem_shared>>
        tpu.enqueue_indirect_dma source(%arg8 : memref<128xf32, #tpu.memory_space<vmem>>) target(%dma_start3A_19 : memref<10240xf32, #tpu.memory_space<vmem_shared>>) offsets(%dma_start3A_17 : memref<128xi32, #tpu.memory_space<vmem>>) semaphore(%run_scoped3A : memref<!tpu.dma_semaphore, #tpu.memory_space<semaphore_mem>>) {add = true}
        %dma_wait3A = arith.constant 0 : i32
        %dma_wait3A_20 = tpu.memref_slice %arg7[%scan3A_15, %dma_wait3A] : memref<80x128xi32, #tpu.memory_space<vmem>> -> memref<1x128xi32, #tpu.memory_space<vmem>>
        %dma_wait3A_21 = tpu.memref_squeeze %dma_wait3A_20 : memref<1x128xi32, #tpu.memory_space<vmem>> -> memref<128xi32, #tpu.memory_space<vmem>>
        %dma_wait3A_22 = arith.constant 0 : i32
        %dma_wait3A_23 = tpu.memref_slice %arg6[%dma_wait3A_22] : memref<10240xf32, #tpu.memory_space<vmem_shared>> -> memref<10240xf32, #tpu.memory_space<vmem_shared>>
        tpu.wait_indirect_dma semaphore(%run_scoped3A : memref<!tpu.dma_semaphore, #tpu.memory_space<semaphore_mem>>) src(%arg8 : memref<128xf32, #tpu.memory_space<vmem>>) dst(%dma_wait3A_23 : memref<10240xf32, #tpu.memory_space<vmem_shared>>)
        tpu.yield
      }) : () -> ()
    }
    %scan3A_9 = arith.constant 80 : i32
    %barrier3A_10 = arith.constant 0 : index
    tpu.barrier barrier_id(%barrier3A_10)
    %mul3A_11 = arith.constant 640 : i32
    %mul3A_12 = arith.muli %arg1, %mul3A_11 : i32
    %mul3A_13 = arith.constant 640 : i32
    %mul3A_14 = arith.muli %arg1, %mul3A_13 : i32
    "tpu.region"() ({
      %run_scoped3A = tpu.sem_alloc : memref<!tpu.dma_semaphore, #tpu.memory_space<semaphore_mem>>
      %dma_start3A = tpu.memref_slice %arg5[%arg0, %mul3A_14] : memref<2x10240xf32, #tpu.memory_space<hbm>> -> memref<1x640xf32, #tpu.memory_space<hbm>>
      %dma_start3A_15 = tpu.memref_squeeze %dma_start3A : memref<1x640xf32, #tpu.memory_space<hbm>> -> memref<640xf32, #tpu.memory_space<hbm>>
      %dma_start3A_16 = tpu.memref_slice %arg6[%mul3A_12] : memref<10240xf32, #tpu.memory_space<vmem_shared>> -> memref<640xf32, #tpu.memory_space<vmem_shared>>
      tpu.enqueue_dma source(%dma_start3A_16 : memref<640xf32, #tpu.memory_space<vmem_shared>>) target(%dma_start3A_15 : memref<640xf32, #tpu.memory_space<hbm>>) target_semaphore(%run_scoped3A : memref<!tpu.dma_semaphore, #tpu.memory_space<semaphore_mem>>)
      %dma_wait3A = tpu.memref_slice %arg5[%arg0, %mul3A_14] : memref<2x10240xf32, #tpu.memory_space<hbm>> -> memref<1x640xf32, #tpu.memory_space<hbm>>
      %dma_wait3A_17 = tpu.memref_squeeze %dma_wait3A : memref<1x640xf32, #tpu.memory_space<hbm>> -> memref<640xf32, #tpu.memory_space<hbm>>
      %dma_wait3A_18 = tpu.memref_slice %arg6[%mul3A_12] : memref<10240xf32, #tpu.memory_space<vmem_shared>> -> memref<640xf32, #tpu.memory_space<vmem_shared>>
      tpu.wait_dma2 semaphore(%run_scoped3A : memref<!tpu.dma_semaphore, #tpu.memory_space<semaphore_mem>>) src(%dma_wait3A_18 : memref<640xf32, #tpu.memory_space<vmem_shared>>) dst(%dma_wait3A_17 : memref<640xf32, #tpu.memory_space<hbm>>)
      tpu.yield
    }) : () -> ()
    return
  }
}

#map = affine_map<(d0, d1) -> (0, 0)>
#map1 = affine_map<(d0, d1) -> (0, 0, 0)>
module attributes {stable_mosaic.version = 14 : i64} {
  func.func @edge_kernel(%arg0: i32, %arg1: i32, %arg2: memref<20480x128xf32, #tpu.memory_space<hbm>>, %arg3: memref<2x2560x128xi32, #tpu.memory_space<hbm>>, %arg4: memref<2560x128xi32, #tpu.memory_space<hbm>>, %arg5: memref<640x128xf32, #tpu.memory_space<hbm>>, %arg6: memref<2x10240x128xf32, #tpu.memory_space<hbm>>, %arg7: memref<10240x128xf32, #tpu.memory_space<vmem_shared>>, %arg8: memref<32x128xi32, #tpu.memory_space<vmem>>, %arg9: memref<32x128xi32, #tpu.memory_space<vmem>>, %arg10: memref<2x128x128xf32, #tpu.memory_space<vmem>>, %arg11: memref<!tpu.dma_semaphore, #tpu.memory_space<semaphore_mem>>, %arg12: memref<!tpu.dma_semaphore, #tpu.memory_space<semaphore_mem>>, %arg13: memref<!tpu.dma_semaphore, #tpu.memory_space<semaphore_mem>>, %arg14: memref<!tpu.dma_semaphore, #tpu.memory_space<semaphore_mem>>) attributes {dimension_semantics = [#tpu.dimension_semantics<core_parallel>, #tpu.dimension_semantics<subcore_parallel>], iteration_bounds = array<i64: 2, 16>, scalar_prefetch = 0 : i64, scratch_operands = 8 : i64, tpu.core_type = #tpu.core_type<sc_vector_subcore>, window_params = [{transform_indices = #map}, {transform_indices = #map1}, {transform_indices = #map}, {transform_indices = #map}, {transform_indices = #map1}]} {
    %mul3A = arith.constant 640 : i32
    %mul3A_0 = arith.muli %arg1, %mul3A : i32
    "tpu.region"() ({
      %run_scoped3A = tpu.sem_alloc : memref<!tpu.dma_semaphore, #tpu.memory_space<semaphore_mem>>
      %dma_start3A = arith.constant 0 : i32
      %dma_start3A_13 = tpu.memref_slice %arg7[%mul3A_0, %dma_start3A] : memref<10240x128xf32, #tpu.memory_space<vmem_shared>> -> memref<640x128xf32, #tpu.memory_space<vmem_shared>>
      tpu.enqueue_dma source(%arg5 : memref<640x128xf32, #tpu.memory_space<hbm>>) target(%dma_start3A_13 : memref<640x128xf32, #tpu.memory_space<vmem_shared>>) target_semaphore(%run_scoped3A : memref<!tpu.dma_semaphore, #tpu.memory_space<semaphore_mem>>)
      %dma_wait3A = arith.constant 0 : i32
      %dma_wait3A_14 = tpu.memref_slice %arg7[%mul3A_0, %dma_wait3A] : memref<10240x128xf32, #tpu.memory_space<vmem_shared>> -> memref<640x128xf32, #tpu.memory_space<vmem_shared>>
      tpu.wait_dma2 semaphore(%run_scoped3A : memref<!tpu.dma_semaphore, #tpu.memory_space<semaphore_mem>>) src(%arg5 : memref<640x128xf32, #tpu.memory_space<hbm>>) dst(%dma_wait3A_14 : memref<640x128xf32, #tpu.memory_space<vmem_shared>>)
      tpu.yield
    }) : () -> ()
    %barrier3A = arith.constant 0 : index
    tpu.barrier barrier_id(%barrier3A)
    %mul3A_1 = arith.constant 160 : i32
    %mul3A_2 = arith.muli %arg1, %mul3A_1 : i32
    %scan3A = arith.constant 0 : i32
    %scan3A_3 = arith.constant 0 : i32
    %scan3A_4 = arith.constant 5 : i32
    %scan3A_5 = arith.addi %scan3A_3, %scan3A_4 : i32
    %scan3A_6 = arith.constant 1 : i32
    scf.for %scan3A_13 = %scan3A_3 to %scan3A_5 step %scan3A_6  : i32 {
      %mul3A_14 = arith.constant 32 : i32
      %mul3A_15 = arith.muli %scan3A_13, %mul3A_14 : i32
      %add3A = arith.addi %mul3A_2, %mul3A_15 : i32
      "tpu.region"() ({
        %run_scoped3A = tpu.sem_alloc : memref<!tpu.dma_semaphore, #tpu.memory_space<semaphore_mem>>
        %dma_start3A_48 = arith.constant 0 : i32
        %dma_start3A_49 = tpu.memref_slice %arg3[%arg0, %add3A, %dma_start3A_48] : memref<2x2560x128xi32, #tpu.memory_space<hbm>> -> memref<1x32x128xi32, #tpu.memory_space<hbm>>
        %dma_start3A_50 = tpu.memref_squeeze %dma_start3A_49 : memref<1x32x128xi32, #tpu.memory_space<hbm>> -> memref<32x128xi32, #tpu.memory_space<hbm>>
        %dma_start3A_51 = arith.constant 0 : i32
        %dma_start3A_52 = tpu.memref_slice %arg3[%arg0, %add3A, %dma_start3A_51] : memref<2x2560x128xi32, #tpu.memory_space<hbm>> -> memref<1x32x128xi32, #tpu.memory_space<hbm>>
        %dma_start3A_53 = tpu.memref_squeeze %dma_start3A_52 : memref<1x32x128xi32, #tpu.memory_space<hbm>> -> memref<32x128xi32, #tpu.memory_space<hbm>>
        tpu.enqueue_dma source(%dma_start3A_53 : memref<32x128xi32, #tpu.memory_space<hbm>>) target(%arg8 : memref<32x128xi32, #tpu.memory_space<vmem>>) target_semaphore(%run_scoped3A : memref<!tpu.dma_semaphore, #tpu.memory_space<semaphore_mem>>)
        %dma_wait3A = arith.constant 0 : i32
        %dma_wait3A_54 = tpu.memref_slice %arg3[%arg0, %add3A, %dma_wait3A] : memref<2x2560x128xi32, #tpu.memory_space<hbm>> -> memref<1x32x128xi32, #tpu.memory_space<hbm>>
        %dma_wait3A_55 = tpu.memref_squeeze %dma_wait3A_54 : memref<1x32x128xi32, #tpu.memory_space<hbm>> -> memref<32x128xi32, #tpu.memory_space<hbm>>
        %dma_wait3A_56 = arith.constant 0 : i32
        %dma_wait3A_57 = tpu.memref_slice %arg3[%arg0, %add3A, %dma_wait3A_56] : memref<2x2560x128xi32, #tpu.memory_space<hbm>> -> memref<1x32x128xi32, #tpu.memory_space<hbm>>
        %dma_wait3A_58 = tpu.memref_squeeze %dma_wait3A_57 : memref<1x32x128xi32, #tpu.memory_space<hbm>> -> memref<32x128xi32, #tpu.memory_space<hbm>>
        tpu.wait_dma2 semaphore(%run_scoped3A : memref<!tpu.dma_semaphore, #tpu.memory_space<semaphore_mem>>) src(%dma_wait3A_58 : memref<32x128xi32, #tpu.memory_space<hbm>>) dst(%arg8 : memref<32x128xi32, #tpu.memory_space<vmem>>)
        tpu.yield
      }) : () -> ()
      %mul3A_16 = arith.constant 32 : i32
      %mul3A_17 = arith.muli %scan3A_13, %mul3A_16 : i32
      %add3A_18 = arith.addi %mul3A_2, %mul3A_17 : i32
      "tpu.region"() ({
        %run_scoped3A = tpu.sem_alloc : memref<!tpu.dma_semaphore, #tpu.memory_space<semaphore_mem>>
        %dma_start3A_48 = arith.constant 0 : i32
        %dma_start3A_49 = tpu.memref_slice %arg4[%add3A_18, %dma_start3A_48] : memref<2560x128xi32, #tpu.memory_space<hbm>> -> memref<32x128xi32, #tpu.memory_space<hbm>>
        %dma_start3A_50 = arith.constant 0 : i32
        %dma_start3A_51 = tpu.memref_slice %arg4[%add3A_18, %dma_start3A_50] : memref<2560x128xi32, #tpu.memory_space<hbm>> -> memref<32x128xi32, #tpu.memory_space<hbm>>
        tpu.enqueue_dma source(%dma_start3A_51 : memref<32x128xi32, #tpu.memory_space<hbm>>) target(%arg9 : memref<32x128xi32, #tpu.memory_space<vmem>>) target_semaphore(%run_scoped3A : memref<!tpu.dma_semaphore, #tpu.memory_space<semaphore_mem>>)
        %dma_wait3A = arith.constant 0 : i32
        %dma_wait3A_52 = tpu.memref_slice %arg4[%add3A_18, %dma_wait3A] : memref<2560x128xi32, #tpu.memory_space<hbm>> -> memref<32x128xi32, #tpu.memory_space<hbm>>
        %dma_wait3A_53 = arith.constant 0 : i32
        %dma_wait3A_54 = tpu.memref_slice %arg4[%add3A_18, %dma_wait3A_53] : memref<2560x128xi32, #tpu.memory_space<hbm>> -> memref<32x128xi32, #tpu.memory_space<hbm>>
        tpu.wait_dma2 semaphore(%run_scoped3A : memref<!tpu.dma_semaphore, #tpu.memory_space<semaphore_mem>>) src(%dma_wait3A_54 : memref<32x128xi32, #tpu.memory_space<hbm>>) dst(%arg9 : memref<32x128xi32, #tpu.memory_space<vmem>>)
        tpu.yield
      }) : () -> ()
      %dma_start3A = arith.constant 0 : i32
      %dma_start3A_19 = arith.constant 0 : i32
      %dma_start3A_20 = arith.constant 0 : i32
      %dma_start3A_21 = arith.constant 0 : i32
      %dma_start3A_22 = tpu.memref_slice %arg10[%dma_start3A_19, %dma_start3A_20, %dma_start3A_21] : memref<2x128x128xf32, #tpu.memory_space<vmem>> -> memref<1x128x128xf32, #tpu.memory_space<vmem>>
      %dma_start3A_23 = tpu.memref_squeeze %dma_start3A_22 : memref<1x128x128xf32, #tpu.memory_space<vmem>> -> memref<128x128xf32, #tpu.memory_space<vmem>>
      %dma_start3A_24 = arith.constant 0 : i32
      %dma_start3A_25 = tpu.memref_slice %arg8[%dma_start3A, %dma_start3A_24] : memref<32x128xi32, #tpu.memory_space<vmem>> -> memref<1x128xi32, #tpu.memory_space<vmem>>
      %dma_start3A_26 = tpu.memref_squeeze %dma_start3A_25 : memref<1x128xi32, #tpu.memory_space<vmem>> -> memref<128xi32, #tpu.memory_space<vmem>>
      %dma_start3A_27 = arith.constant 0 : i32
      %dma_start3A_28 = arith.constant 0 : i32
      %dma_start3A_29 = tpu.memref_slice %arg2[%dma_start3A_27, %dma_start3A_28] : memref<20480x128xf32, #tpu.memory_space<hbm>> -> memref<20480x128xf32, #tpu.memory_space<hbm>>
      tpu.enqueue_indirect_dma source(%dma_start3A_29 : memref<20480x128xf32, #tpu.memory_space<hbm>>) target(%dma_start3A_23 : memref<128x128xf32, #tpu.memory_space<vmem>>) offsets(%dma_start3A_26 : memref<128xi32, #tpu.memory_space<vmem>>) semaphore(%arg11 : memref<!tpu.dma_semaphore, #tpu.memory_space<semaphore_mem>>)
      %dma_start3A_30 = arith.constant 1 : i32
      %dma_start3A_31 = arith.constant 1 : i32
      %dma_start3A_32 = arith.constant 0 : i32
      %dma_start3A_33 = arith.constant 0 : i32
      %dma_start3A_34 = tpu.memref_slice %arg10[%dma_start3A_31, %dma_start3A_32, %dma_start3A_33] : memref<2x128x128xf32, #tpu.memory_space<vmem>> -> memref<1x128x128xf32, #tpu.memory_space<vmem>>
      %dma_start3A_35 = tpu.memref_squeeze %dma_start3A_34 : memref<1x128x128xf32, #tpu.memory_space<vmem>> -> memref<128x128xf32, #tpu.memory_space<vmem>>
      %dma_start3A_36 = arith.constant 0 : i32
      %dma_start3A_37 = tpu.memref_slice %arg8[%dma_start3A_30, %dma_start3A_36] : memref<32x128xi32, #tpu.memory_space<vmem>> -> memref<1x128xi32, #tpu.memory_space<vmem>>
      %dma_start3A_38 = tpu.memref_squeeze %dma_start3A_37 : memref<1x128xi32, #tpu.memory_space<vmem>> -> memref<128xi32, #tpu.memory_space<vmem>>
      %dma_start3A_39 = arith.constant 0 : i32
      %dma_start3A_40 = arith.constant 0 : i32
      %dma_start3A_41 = tpu.memref_slice %arg2[%dma_start3A_39, %dma_start3A_40] : memref<20480x128xf32, #tpu.memory_space<hbm>> -> memref<20480x128xf32, #tpu.memory_space<hbm>>
      tpu.enqueue_indirect_dma source(%dma_start3A_41 : memref<20480x128xf32, #tpu.memory_space<hbm>>) target(%dma_start3A_35 : memref<128x128xf32, #tpu.memory_space<vmem>>) offsets(%dma_start3A_38 : memref<128xi32, #tpu.memory_space<vmem>>) semaphore(%arg12 : memref<!tpu.dma_semaphore, #tpu.memory_space<semaphore_mem>>)
      %scan3A_42 = arith.constant 0 : i32
      %scan3A_43 = arith.constant 0 : i32
      %scan3A_44 = arith.constant 16 : i32
      %scan3A_45 = arith.addi %scan3A_43, %scan3A_44 : i32
      %scan3A_46 = arith.constant 1 : i32
      scf.for %scan3A_48 = %scan3A_43 to %scan3A_45 step %scan3A_46  : i32 {
        %mul3A_49 = arith.constant 2 : i32
        %mul3A_50 = arith.muli %scan3A_48, %mul3A_49 : i32
        %dma_wait3A = arith.constant 0 : i32
        %dma_wait3A_51 = arith.constant 0 : i32
        %dma_wait3A_52 = arith.constant 0 : i32
        %dma_wait3A_53 = tpu.memref_slice %arg10[%dma_wait3A, %dma_wait3A_51, %dma_wait3A_52] : memref<2x128x128xf32, #tpu.memory_space<vmem>> -> memref<1x128x128xf32, #tpu.memory_space<vmem>>
        %dma_wait3A_54 = tpu.memref_squeeze %dma_wait3A_53 : memref<1x128x128xf32, #tpu.memory_space<vmem>> -> memref<128x128xf32, #tpu.memory_space<vmem>>
        %dma_wait3A_55 = arith.constant 0 : i32
        %dma_wait3A_56 = tpu.memref_slice %arg8[%mul3A_50, %dma_wait3A_55] : memref<32x128xi32, #tpu.memory_space<vmem>> -> memref<1x128xi32, #tpu.memory_space<vmem>>
        %dma_wait3A_57 = tpu.memref_squeeze %dma_wait3A_56 : memref<1x128xi32, #tpu.memory_space<vmem>> -> memref<128xi32, #tpu.memory_space<vmem>>
        %dma_wait3A_58 = arith.constant 0 : i32
        %dma_wait3A_59 = arith.constant 0 : i32
        %dma_wait3A_60 = tpu.memref_slice %arg2[%dma_wait3A_58, %dma_wait3A_59] : memref<20480x128xf32, #tpu.memory_space<hbm>> -> memref<20480x128xf32, #tpu.memory_space<hbm>>
        tpu.wait_indirect_dma semaphore(%arg11 : memref<!tpu.dma_semaphore, #tpu.memory_space<semaphore_mem>>) src(%dma_wait3A_60 : memref<20480x128xf32, #tpu.memory_space<hbm>>) dst(%dma_wait3A_54 : memref<128x128xf32, #tpu.memory_space<vmem>>)
        %dma_start3A_61 = arith.constant 0 : i32
        %dma_start3A_62 = arith.constant 0 : i32
        %dma_start3A_63 = arith.constant 0 : i32
        %dma_start3A_64 = tpu.memref_slice %arg10[%dma_start3A_61, %dma_start3A_62, %dma_start3A_63] : memref<2x128x128xf32, #tpu.memory_space<vmem>> -> memref<1x128x128xf32, #tpu.memory_space<vmem>>
        %dma_start3A_65 = tpu.memref_squeeze %dma_start3A_64 : memref<1x128x128xf32, #tpu.memory_space<vmem>> -> memref<128x128xf32, #tpu.memory_space<vmem>>
        %dma_start3A_66 = arith.constant 0 : i32
        %dma_start3A_67 = tpu.memref_slice %arg9[%mul3A_50, %dma_start3A_66] : memref<32x128xi32, #tpu.memory_space<vmem>> -> memref<1x128xi32, #tpu.memory_space<vmem>>
        %dma_start3A_68 = tpu.memref_squeeze %dma_start3A_67 : memref<1x128xi32, #tpu.memory_space<vmem>> -> memref<128xi32, #tpu.memory_space<vmem>>
        %dma_start3A_69 = arith.constant 0 : i32
        %dma_start3A_70 = arith.constant 0 : i32
        %dma_start3A_71 = tpu.memref_slice %arg7[%dma_start3A_69, %dma_start3A_70] : memref<10240x128xf32, #tpu.memory_space<vmem_shared>> -> memref<10240x128xf32, #tpu.memory_space<vmem_shared>>
        tpu.enqueue_indirect_dma source(%dma_start3A_65 : memref<128x128xf32, #tpu.memory_space<vmem>>) target(%dma_start3A_71 : memref<10240x128xf32, #tpu.memory_space<vmem_shared>>) offsets(%dma_start3A_68 : memref<128xi32, #tpu.memory_space<vmem>>) semaphore(%arg13 : memref<!tpu.dma_semaphore, #tpu.memory_space<semaphore_mem>>) {add = true}
        %add3A_72 = arith.constant 1 : i32
        %add3A_73 = arith.addi %mul3A_50, %add3A_72 : i32
        %dma_wait3A_74 = arith.constant 1 : i32
        %dma_wait3A_75 = arith.constant 0 : i32
        %dma_wait3A_76 = arith.constant 0 : i32
        %dma_wait3A_77 = tpu.memref_slice %arg10[%dma_wait3A_74, %dma_wait3A_75, %dma_wait3A_76] : memref<2x128x128xf32, #tpu.memory_space<vmem>> -> memref<1x128x128xf32, #tpu.memory_space<vmem>>
        %dma_wait3A_78 = tpu.memref_squeeze %dma_wait3A_77 : memref<1x128x128xf32, #tpu.memory_space<vmem>> -> memref<128x128xf32, #tpu.memory_space<vmem>>
        %dma_wait3A_79 = arith.constant 0 : i32
        %dma_wait3A_80 = tpu.memref_slice %arg8[%add3A_73, %dma_wait3A_79] : memref<32x128xi32, #tpu.memory_space<vmem>> -> memref<1x128xi32, #tpu.memory_space<vmem>>
        %dma_wait3A_81 = tpu.memref_squeeze %dma_wait3A_80 : memref<1x128xi32, #tpu.memory_space<vmem>> -> memref<128xi32, #tpu.memory_space<vmem>>
        %dma_wait3A_82 = arith.constant 0 : i32
        %dma_wait3A_83 = arith.constant 0 : i32
        %dma_wait3A_84 = tpu.memref_slice %arg2[%dma_wait3A_82, %dma_wait3A_83] : memref<20480x128xf32, #tpu.memory_space<hbm>> -> memref<20480x128xf32, #tpu.memory_space<hbm>>
        tpu.wait_indirect_dma semaphore(%arg12 : memref<!tpu.dma_semaphore, #tpu.memory_space<semaphore_mem>>) src(%dma_wait3A_84 : memref<20480x128xf32, #tpu.memory_space<hbm>>) dst(%dma_wait3A_78 : memref<128x128xf32, #tpu.memory_space<vmem>>)
        %add3A_85 = arith.constant 1 : i32
        %add3A_86 = arith.addi %mul3A_50, %add3A_85 : i32
        %dma_start3A_87 = arith.constant 1 : i32
        %dma_start3A_88 = arith.constant 0 : i32
        %dma_start3A_89 = arith.constant 0 : i32
        %dma_start3A_90 = tpu.memref_slice %arg10[%dma_start3A_87, %dma_start3A_88, %dma_start3A_89] : memref<2x128x128xf32, #tpu.memory_space<vmem>> -> memref<1x128x128xf32, #tpu.memory_space<vmem>>
        %dma_start3A_91 = tpu.memref_squeeze %dma_start3A_90 : memref<1x128x128xf32, #tpu.memory_space<vmem>> -> memref<128x128xf32, #tpu.memory_space<vmem>>
        %dma_start3A_92 = arith.constant 0 : i32
        %dma_start3A_93 = tpu.memref_slice %arg9[%add3A_86, %dma_start3A_92] : memref<32x128xi32, #tpu.memory_space<vmem>> -> memref<1x128xi32, #tpu.memory_space<vmem>>
        %dma_start3A_94 = tpu.memref_squeeze %dma_start3A_93 : memref<1x128xi32, #tpu.memory_space<vmem>> -> memref<128xi32, #tpu.memory_space<vmem>>
        %dma_start3A_95 = arith.constant 0 : i32
        %dma_start3A_96 = arith.constant 0 : i32
        %dma_start3A_97 = tpu.memref_slice %arg7[%dma_start3A_95, %dma_start3A_96] : memref<10240x128xf32, #tpu.memory_space<vmem_shared>> -> memref<10240x128xf32, #tpu.memory_space<vmem_shared>>
        tpu.enqueue_indirect_dma source(%dma_start3A_91 : memref<128x128xf32, #tpu.memory_space<vmem>>) target(%dma_start3A_97 : memref<10240x128xf32, #tpu.memory_space<vmem_shared>>) offsets(%dma_start3A_94 : memref<128xi32, #tpu.memory_space<vmem>>) semaphore(%arg14 : memref<!tpu.dma_semaphore, #tpu.memory_space<semaphore_mem>>) {add = true}
        %dma_wait3A_98 = arith.constant 0 : i32
        %dma_wait3A_99 = arith.constant 0 : i32
        %dma_wait3A_100 = arith.constant 0 : i32
        %dma_wait3A_101 = tpu.memref_slice %arg10[%dma_wait3A_98, %dma_wait3A_99, %dma_wait3A_100] : memref<2x128x128xf32, #tpu.memory_space<vmem>> -> memref<1x128x128xf32, #tpu.memory_space<vmem>>
        %dma_wait3A_102 = tpu.memref_squeeze %dma_wait3A_101 : memref<1x128x128xf32, #tpu.memory_space<vmem>> -> memref<128x128xf32, #tpu.memory_space<vmem>>
        %dma_wait3A_103 = arith.constant 0 : i32
        %dma_wait3A_104 = tpu.memref_slice %arg9[%mul3A_50, %dma_wait3A_103] : memref<32x128xi32, #tpu.memory_space<vmem>> -> memref<1x128xi32, #tpu.memory_space<vmem>>
        %dma_wait3A_105 = tpu.memref_squeeze %dma_wait3A_104 : memref<1x128xi32, #tpu.memory_space<vmem>> -> memref<128xi32, #tpu.memory_space<vmem>>
        %dma_wait3A_106 = arith.constant 0 : i32
        %dma_wait3A_107 = arith.constant 0 : i32
        %dma_wait3A_108 = tpu.memref_slice %arg7[%dma_wait3A_106, %dma_wait3A_107] : memref<10240x128xf32, #tpu.memory_space<vmem_shared>> -> memref<10240x128xf32, #tpu.memory_space<vmem_shared>>
        tpu.wait_indirect_dma semaphore(%arg13 : memref<!tpu.dma_semaphore, #tpu.memory_space<semaphore_mem>>) src(%dma_wait3A_102 : memref<128x128xf32, #tpu.memory_space<vmem>>) dst(%dma_wait3A_108 : memref<10240x128xf32, #tpu.memory_space<vmem_shared>>)
        %add3A_109 = arith.constant 2 : i32
        %add3A_110 = arith.addi %mul3A_50, %add3A_109 : i32
        %lt3A = arith.constant 32 : i32
        %lt3A_111 = arith.cmpi slt, %add3A_110, %lt3A : i32
        %convert_element_type3A = arith.extui %lt3A_111 : i1 to i32
        %cond3A = arith.constant 0 : i32
        %cond3A_112 = arith.cmpi ne, %convert_element_type3A, %cond3A : i32
        scf.if %cond3A_112 {
          %add3A_131 = arith.constant 2 : i32
          %add3A_132 = arith.addi %mul3A_50, %add3A_131 : i32
          %dma_start3A_133 = arith.constant 0 : i32
          %dma_start3A_134 = arith.constant 0 : i32
          %dma_start3A_135 = arith.constant 0 : i32
          %dma_start3A_136 = tpu.memref_slice %arg10[%dma_start3A_133, %dma_start3A_134, %dma_start3A_135] : memref<2x128x128xf32, #tpu.memory_space<vmem>> -> memref<1x128x128xf32, #tpu.memory_space<vmem>>
          %dma_start3A_137 = tpu.memref_squeeze %dma_start3A_136 : memref<1x128x128xf32, #tpu.memory_space<vmem>> -> memref<128x128xf32, #tpu.memory_space<vmem>>
          %dma_start3A_138 = arith.constant 0 : i32
          %dma_start3A_139 = tpu.memref_slice %arg8[%add3A_132, %dma_start3A_138] : memref<32x128xi32, #tpu.memory_space<vmem>> -> memref<1x128xi32, #tpu.memory_space<vmem>>
          %dma_start3A_140 = tpu.memref_squeeze %dma_start3A_139 : memref<1x128xi32, #tpu.memory_space<vmem>> -> memref<128xi32, #tpu.memory_space<vmem>>
          %dma_start3A_141 = arith.constant 0 : i32
          %dma_start3A_142 = arith.constant 0 : i32
          %dma_start3A_143 = tpu.memref_slice %arg2[%dma_start3A_141, %dma_start3A_142] : memref<20480x128xf32, #tpu.memory_space<hbm>> -> memref<20480x128xf32, #tpu.memory_space<hbm>>
          tpu.enqueue_indirect_dma source(%dma_start3A_143 : memref<20480x128xf32, #tpu.memory_space<hbm>>) target(%dma_start3A_137 : memref<128x128xf32, #tpu.memory_space<vmem>>) offsets(%dma_start3A_140 : memref<128xi32, #tpu.memory_space<vmem>>) semaphore(%arg11 : memref<!tpu.dma_semaphore, #tpu.memory_space<semaphore_mem>>)
        } else {
        }
        %dma_wait3A_113 = arith.constant 1 : i32
        %dma_wait3A_114 = arith.constant 0 : i32
        %dma_wait3A_115 = arith.constant 0 : i32
        %dma_wait3A_116 = tpu.memref_slice %arg10[%dma_wait3A_113, %dma_wait3A_114, %dma_wait3A_115] : memref<2x128x128xf32, #tpu.memory_space<vmem>> -> memref<1x128x128xf32, #tpu.memory_space<vmem>>
        %dma_wait3A_117 = tpu.memref_squeeze %dma_wait3A_116 : memref<1x128x128xf32, #tpu.memory_space<vmem>> -> memref<128x128xf32, #tpu.memory_space<vmem>>
        %dma_wait3A_118 = arith.constant 0 : i32
        %dma_wait3A_119 = tpu.memref_slice %arg9[%add3A_86, %dma_wait3A_118] : memref<32x128xi32, #tpu.memory_space<vmem>> -> memref<1x128xi32, #tpu.memory_space<vmem>>
        %dma_wait3A_120 = tpu.memref_squeeze %dma_wait3A_119 : memref<1x128xi32, #tpu.memory_space<vmem>> -> memref<128xi32, #tpu.memory_space<vmem>>
        %dma_wait3A_121 = arith.constant 0 : i32
        %dma_wait3A_122 = arith.constant 0 : i32
        %dma_wait3A_123 = tpu.memref_slice %arg7[%dma_wait3A_121, %dma_wait3A_122] : memref<10240x128xf32, #tpu.memory_space<vmem_shared>> -> memref<10240x128xf32, #tpu.memory_space<vmem_shared>>
        tpu.wait_indirect_dma semaphore(%arg14 : memref<!tpu.dma_semaphore, #tpu.memory_space<semaphore_mem>>) src(%dma_wait3A_117 : memref<128x128xf32, #tpu.memory_space<vmem>>) dst(%dma_wait3A_123 : memref<10240x128xf32, #tpu.memory_space<vmem_shared>>)
        %add3A_124 = arith.constant 3 : i32
        %add3A_125 = arith.addi %mul3A_50, %add3A_124 : i32
        %lt3A_126 = arith.constant 32 : i32
        %lt3A_127 = arith.cmpi slt, %add3A_125, %lt3A_126 : i32
        %convert_element_type3A_128 = arith.extui %lt3A_127 : i1 to i32
        %cond3A_129 = arith.constant 0 : i32
        %cond3A_130 = arith.cmpi ne, %convert_element_type3A_128, %cond3A_129 : i32
        scf.if %cond3A_130 {
          %add3A_131 = arith.constant 3 : i32
          %add3A_132 = arith.addi %mul3A_50, %add3A_131 : i32
          %dma_start3A_133 = arith.constant 1 : i32
          %dma_start3A_134 = arith.constant 0 : i32
          %dma_start3A_135 = arith.constant 0 : i32
          %dma_start3A_136 = tpu.memref_slice %arg10[%dma_start3A_133, %dma_start3A_134, %dma_start3A_135] : memref<2x128x128xf32, #tpu.memory_space<vmem>> -> memref<1x128x128xf32, #tpu.memory_space<vmem>>
          %dma_start3A_137 = tpu.memref_squeeze %dma_start3A_136 : memref<1x128x128xf32, #tpu.memory_space<vmem>> -> memref<128x128xf32, #tpu.memory_space<vmem>>
          %dma_start3A_138 = arith.constant 0 : i32
          %dma_start3A_139 = tpu.memref_slice %arg8[%add3A_132, %dma_start3A_138] : memref<32x128xi32, #tpu.memory_space<vmem>> -> memref<1x128xi32, #tpu.memory_space<vmem>>
          %dma_start3A_140 = tpu.memref_squeeze %dma_start3A_139 : memref<1x128xi32, #tpu.memory_space<vmem>> -> memref<128xi32, #tpu.memory_space<vmem>>
          %dma_start3A_141 = arith.constant 0 : i32
          %dma_start3A_142 = arith.constant 0 : i32
          %dma_start3A_143 = tpu.memref_slice %arg2[%dma_start3A_141, %dma_start3A_142] : memref<20480x128xf32, #tpu.memory_space<hbm>> -> memref<20480x128xf32, #tpu.memory_space<hbm>>
          tpu.enqueue_indirect_dma source(%dma_start3A_143 : memref<20480x128xf32, #tpu.memory_space<hbm>>) target(%dma_start3A_137 : memref<128x128xf32, #tpu.memory_space<vmem>>) offsets(%dma_start3A_140 : memref<128xi32, #tpu.memory_space<vmem>>) semaphore(%arg12 : memref<!tpu.dma_semaphore, #tpu.memory_space<semaphore_mem>>)
        } else {
        }
      }
      %scan3A_47 = arith.constant 16 : i32
    }
    %scan3A_7 = arith.constant 5 : i32
    %barrier3A_8 = arith.constant 0 : index
    tpu.barrier barrier_id(%barrier3A_8)
    %mul3A_9 = arith.constant 640 : i32
    %mul3A_10 = arith.muli %arg1, %mul3A_9 : i32
    %mul3A_11 = arith.constant 640 : i32
    %mul3A_12 = arith.muli %arg1, %mul3A_11 : i32
    "tpu.region"() ({
      %run_scoped3A = tpu.sem_alloc : memref<!tpu.dma_semaphore, #tpu.memory_space<semaphore_mem>>
      %dma_start3A = arith.constant 0 : i32
      %dma_start3A_13 = tpu.memref_slice %arg6[%arg0, %mul3A_12, %dma_start3A] : memref<2x10240x128xf32, #tpu.memory_space<hbm>> -> memref<1x640x128xf32, #tpu.memory_space<hbm>>
      %dma_start3A_14 = tpu.memref_squeeze %dma_start3A_13 : memref<1x640x128xf32, #tpu.memory_space<hbm>> -> memref<640x128xf32, #tpu.memory_space<hbm>>
      %dma_start3A_15 = arith.constant 0 : i32
      %dma_start3A_16 = tpu.memref_slice %arg7[%mul3A_10, %dma_start3A_15] : memref<10240x128xf32, #tpu.memory_space<vmem_shared>> -> memref<640x128xf32, #tpu.memory_space<vmem_shared>>
      tpu.enqueue_dma source(%dma_start3A_16 : memref<640x128xf32, #tpu.memory_space<vmem_shared>>) target(%dma_start3A_14 : memref<640x128xf32, #tpu.memory_space<hbm>>) target_semaphore(%run_scoped3A : memref<!tpu.dma_semaphore, #tpu.memory_space<semaphore_mem>>)
      %dma_wait3A = arith.constant 0 : i32
      %dma_wait3A_17 = tpu.memref_slice %arg6[%arg0, %mul3A_12, %dma_wait3A] : memref<2x10240x128xf32, #tpu.memory_space<hbm>> -> memref<1x640x128xf32, #tpu.memory_space<hbm>>
      %dma_wait3A_18 = tpu.memref_squeeze %dma_wait3A_17 : memref<1x640x128xf32, #tpu.memory_space<hbm>> -> memref<640x128xf32, #tpu.memory_space<hbm>>
      %dma_wait3A_19 = arith.constant 0 : i32
      %dma_wait3A_20 = tpu.memref_slice %arg7[%mul3A_10, %dma_wait3A_19] : memref<10240x128xf32, #tpu.memory_space<vmem_shared>> -> memref<640x128xf32, #tpu.memory_space<vmem_shared>>
      tpu.wait_dma2 semaphore(%run_scoped3A : memref<!tpu.dma_semaphore, #tpu.memory_space<semaphore_mem>>) src(%dma_wait3A_20 : memref<640x128xf32, #tpu.memory_space<vmem_shared>>) dst(%dma_wait3A_18 : memref<640x128xf32, #tpu.memory_space<hbm>>)
      tpu.yield
    }) : () -> ()
    return
  }
}

#map = affine_map<(d0, d1) -> (0, 0)>
#map1 = affine_map<(d0, d1) -> (0, 0, 0)>
module attributes {stable_mosaic.version = 14 : i64} {
  func.func @edge_kernel(%arg0: i32, %arg1: i32, %arg2: memref<20480x128xf32, #tpu.memory_space<hbm>>, %arg3: memref<2x2560x128xi32, #tpu.memory_space<hbm>>, %arg4: memref<2560x128xi32, #tpu.memory_space<hbm>>, %arg5: memref<640x128xf32, #tpu.memory_space<hbm>>, %arg6: memref<2x10240x128xf32, #tpu.memory_space<hbm>>, %arg7: memref<10240x128xf32, #tpu.memory_space<vmem_shared>>, %arg8: memref<8x128xi32, #tpu.memory_space<vmem>>, %arg9: memref<8x128xi32, #tpu.memory_space<vmem>>, %arg10: memref<2x128x128xf32, #tpu.memory_space<vmem>>, %arg11: memref<!tpu.dma_semaphore, #tpu.memory_space<semaphore_mem>>, %arg12: memref<!tpu.dma_semaphore, #tpu.memory_space<semaphore_mem>>, %arg13: memref<!tpu.dma_semaphore, #tpu.memory_space<semaphore_mem>>, %arg14: memref<!tpu.dma_semaphore, #tpu.memory_space<semaphore_mem>>) attributes {dimension_semantics = [#tpu.dimension_semantics<core_parallel>, #tpu.dimension_semantics<subcore_parallel>], iteration_bounds = array<i64: 2, 16>, scalar_prefetch = 0 : i64, scratch_operands = 8 : i64, tpu.core_type = #tpu.core_type<sc_vector_subcore>, window_params = [{transform_indices = #map}, {transform_indices = #map1}, {transform_indices = #map}, {transform_indices = #map}, {transform_indices = #map1}]} {
    %mul3A = arith.constant 640 : i32
    %mul3A_0 = arith.muli %arg1, %mul3A : i32
    "tpu.region"() ({
      %run_scoped3A = tpu.sem_alloc : memref<!tpu.dma_semaphore, #tpu.memory_space<semaphore_mem>>
      %dma_start3A = arith.constant 0 : i32
      %dma_start3A_25 = tpu.memref_slice %arg7[%mul3A_0, %dma_start3A] : memref<10240x128xf32, #tpu.memory_space<vmem_shared>> -> memref<640x128xf32, #tpu.memory_space<vmem_shared>>
      tpu.enqueue_dma source(%arg5 : memref<640x128xf32, #tpu.memory_space<hbm>>) target(%dma_start3A_25 : memref<640x128xf32, #tpu.memory_space<vmem_shared>>) target_semaphore(%run_scoped3A : memref<!tpu.dma_semaphore, #tpu.memory_space<semaphore_mem>>)
      %dma_wait3A = arith.constant 0 : i32
      %dma_wait3A_26 = tpu.memref_slice %arg7[%mul3A_0, %dma_wait3A] : memref<10240x128xf32, #tpu.memory_space<vmem_shared>> -> memref<640x128xf32, #tpu.memory_space<vmem_shared>>
      tpu.wait_dma2 semaphore(%run_scoped3A : memref<!tpu.dma_semaphore, #tpu.memory_space<semaphore_mem>>) src(%arg5 : memref<640x128xf32, #tpu.memory_space<hbm>>) dst(%dma_wait3A_26 : memref<640x128xf32, #tpu.memory_space<vmem_shared>>)
      tpu.yield
    }) : () -> ()
    %barrier3A = arith.constant 0 : index
    tpu.barrier barrier_id(%barrier3A)
    %eq3A = arith.constant 0 : i32
    %eq3A_1 = arith.cmpi eq, %arg0, %eq3A : i32
    %mul3A_2 = arith.constant 136 : i32
    %mul3A_3 = arith.muli %arg1, %mul3A_2 : i32
    %mul3A_4 = arith.constant 24 : i32
    %mul3A_5 = arith.muli %arg1, %mul3A_4 : i32
    %add3A = arith.constant 2176 : i32
    %add3A_6 = arith.addi %add3A, %mul3A_5 : i32
    %select_n3A = arith.select %eq3A_1, %mul3A_3, %add3A_6 : i32
    %eq3A_7 = arith.constant 0 : i32
    %eq3A_8 = arith.cmpi eq, %arg0, %eq3A_7 : i32
    %jit3A = arith.constant 17 : i32
    %jit3A_9 = arith.constant 3 : i32
    %select_n3A_10 = arith.select %eq3A_8, %jit3A, %jit3A_9 : i32
    %while3A = arith.constant 0 : i32
    %while3A_11 = arith.constant 0 : i32
    %while3A_12 = arith.subi %select_n3A_10, %while3A_11 : i32
    %while3A_13 = arith.addi %while3A_11, %while3A_12 : i32
    %while3A_14 = arith.constant 1 : i32
    %while3A_15 = arith.divsi %while3A_12, %while3A_14 : i32
    %while3A_16 = arith.muli %while3A_15, %while3A_14 : i32
    %while3A_17 = arith.addi %while3A_11, %while3A_16 : i32
    %while3A_18 = arith.constant 1 : i32
    scf.for %while3A_25 = %while3A_11 to %while3A_17 step %while3A_18  : i32 {
      %mul3A_26 = arith.constant 8 : i32
      %mul3A_27 = arith.muli %while3A_25, %mul3A_26 : i32
      %add3A_28 = arith.addi %select_n3A, %mul3A_27 : i32
      "tpu.region"() ({
        %run_scoped3A = tpu.sem_alloc : memref<!tpu.dma_semaphore, #tpu.memory_space<semaphore_mem>>
        %dma_start3A_60 = arith.constant 0 : i32
        %dma_start3A_61 = tpu.memref_slice %arg3[%arg0, %add3A_28, %dma_start3A_60] : memref<2x2560x128xi32, #tpu.memory_space<hbm>> -> memref<1x8x128xi32, #tpu.memory_space<hbm>>
        %dma_start3A_62 = tpu.memref_squeeze %dma_start3A_61 : memref<1x8x128xi32, #tpu.memory_space<hbm>> -> memref<8x128xi32, #tpu.memory_space<hbm>>
        %dma_start3A_63 = arith.constant 0 : i32
        %dma_start3A_64 = tpu.memref_slice %arg3[%arg0, %add3A_28, %dma_start3A_63] : memref<2x2560x128xi32, #tpu.memory_space<hbm>> -> memref<1x8x128xi32, #tpu.memory_space<hbm>>
        %dma_start3A_65 = tpu.memref_squeeze %dma_start3A_64 : memref<1x8x128xi32, #tpu.memory_space<hbm>> -> memref<8x128xi32, #tpu.memory_space<hbm>>
        tpu.enqueue_dma source(%dma_start3A_65 : memref<8x128xi32, #tpu.memory_space<hbm>>) target(%arg8 : memref<8x128xi32, #tpu.memory_space<vmem>>) target_semaphore(%run_scoped3A : memref<!tpu.dma_semaphore, #tpu.memory_space<semaphore_mem>>)
        %dma_wait3A = arith.constant 0 : i32
        %dma_wait3A_66 = tpu.memref_slice %arg3[%arg0, %add3A_28, %dma_wait3A] : memref<2x2560x128xi32, #tpu.memory_space<hbm>> -> memref<1x8x128xi32, #tpu.memory_space<hbm>>
        %dma_wait3A_67 = tpu.memref_squeeze %dma_wait3A_66 : memref<1x8x128xi32, #tpu.memory_space<hbm>> -> memref<8x128xi32, #tpu.memory_space<hbm>>
        %dma_wait3A_68 = arith.constant 0 : i32
        %dma_wait3A_69 = tpu.memref_slice %arg3[%arg0, %add3A_28, %dma_wait3A_68] : memref<2x2560x128xi32, #tpu.memory_space<hbm>> -> memref<1x8x128xi32, #tpu.memory_space<hbm>>
        %dma_wait3A_70 = tpu.memref_squeeze %dma_wait3A_69 : memref<1x8x128xi32, #tpu.memory_space<hbm>> -> memref<8x128xi32, #tpu.memory_space<hbm>>
        tpu.wait_dma2 semaphore(%run_scoped3A : memref<!tpu.dma_semaphore, #tpu.memory_space<semaphore_mem>>) src(%dma_wait3A_70 : memref<8x128xi32, #tpu.memory_space<hbm>>) dst(%arg8 : memref<8x128xi32, #tpu.memory_space<vmem>>)
        tpu.yield
      }) : () -> ()
      %mul3A_29 = arith.constant 8 : i32
      %mul3A_30 = arith.muli %while3A_25, %mul3A_29 : i32
      %add3A_31 = arith.addi %select_n3A, %mul3A_30 : i32
      "tpu.region"() ({
        %run_scoped3A = tpu.sem_alloc : memref<!tpu.dma_semaphore, #tpu.memory_space<semaphore_mem>>
        %dma_start3A_60 = arith.constant 0 : i32
        %dma_start3A_61 = tpu.memref_slice %arg4[%add3A_31, %dma_start3A_60] : memref<2560x128xi32, #tpu.memory_space<hbm>> -> memref<8x128xi32, #tpu.memory_space<hbm>>
        %dma_start3A_62 = arith.constant 0 : i32
        %dma_start3A_63 = tpu.memref_slice %arg4[%add3A_31, %dma_start3A_62] : memref<2560x128xi32, #tpu.memory_space<hbm>> -> memref<8x128xi32, #tpu.memory_space<hbm>>
        tpu.enqueue_dma source(%dma_start3A_63 : memref<8x128xi32, #tpu.memory_space<hbm>>) target(%arg9 : memref<8x128xi32, #tpu.memory_space<vmem>>) target_semaphore(%run_scoped3A : memref<!tpu.dma_semaphore, #tpu.memory_space<semaphore_mem>>)
        %dma_wait3A = arith.constant 0 : i32
        %dma_wait3A_64 = tpu.memref_slice %arg4[%add3A_31, %dma_wait3A] : memref<2560x128xi32, #tpu.memory_space<hbm>> -> memref<8x128xi32, #tpu.memory_space<hbm>>
        %dma_wait3A_65 = arith.constant 0 : i32
        %dma_wait3A_66 = tpu.memref_slice %arg4[%add3A_31, %dma_wait3A_65] : memref<2560x128xi32, #tpu.memory_space<hbm>> -> memref<8x128xi32, #tpu.memory_space<hbm>>
        tpu.wait_dma2 semaphore(%run_scoped3A : memref<!tpu.dma_semaphore, #tpu.memory_space<semaphore_mem>>) src(%dma_wait3A_66 : memref<8x128xi32, #tpu.memory_space<hbm>>) dst(%arg9 : memref<8x128xi32, #tpu.memory_space<vmem>>)
        tpu.yield
      }) : () -> ()
      %dma_start3A = arith.constant 0 : i32
      %dma_start3A_32 = arith.constant 0 : i32
      %dma_start3A_33 = arith.constant 0 : i32
      %dma_start3A_34 = arith.constant 0 : i32
      %dma_start3A_35 = tpu.memref_slice %arg10[%dma_start3A_32, %dma_start3A_33, %dma_start3A_34] : memref<2x128x128xf32, #tpu.memory_space<vmem>> -> memref<1x128x128xf32, #tpu.memory_space<vmem>>
      %dma_start3A_36 = tpu.memref_squeeze %dma_start3A_35 : memref<1x128x128xf32, #tpu.memory_space<vmem>> -> memref<128x128xf32, #tpu.memory_space<vmem>>
      %dma_start3A_37 = arith.constant 0 : i32
      %dma_start3A_38 = tpu.memref_slice %arg8[%dma_start3A, %dma_start3A_37] : memref<8x128xi32, #tpu.memory_space<vmem>> -> memref<1x128xi32, #tpu.memory_space<vmem>>
      %dma_start3A_39 = tpu.memref_squeeze %dma_start3A_38 : memref<1x128xi32, #tpu.memory_space<vmem>> -> memref<128xi32, #tpu.memory_space<vmem>>
      %dma_start3A_40 = arith.constant 0 : i32
      %dma_start3A_41 = arith.constant 0 : i32
      %dma_start3A_42 = tpu.memref_slice %arg2[%dma_start3A_40, %dma_start3A_41] : memref<20480x128xf32, #tpu.memory_space<hbm>> -> memref<20480x128xf32, #tpu.memory_space<hbm>>
      tpu.enqueue_indirect_dma source(%dma_start3A_42 : memref<20480x128xf32, #tpu.memory_space<hbm>>) target(%dma_start3A_36 : memref<128x128xf32, #tpu.memory_space<vmem>>) offsets(%dma_start3A_39 : memref<128xi32, #tpu.memory_space<vmem>>) semaphore(%arg11 : memref<!tpu.dma_semaphore, #tpu.memory_space<semaphore_mem>>)
      %dma_start3A_43 = arith.constant 1 : i32
      %dma_start3A_44 = arith.constant 1 : i32
      %dma_start3A_45 = arith.constant 0 : i32
      %dma_start3A_46 = arith.constant 0 : i32
      %dma_start3A_47 = tpu.memref_slice %arg10[%dma_start3A_44, %dma_start3A_45, %dma_start3A_46] : memref<2x128x128xf32, #tpu.memory_space<vmem>> -> memref<1x128x128xf32, #tpu.memory_space<vmem>>
      %dma_start3A_48 = tpu.memref_squeeze %dma_start3A_47 : memref<1x128x128xf32, #tpu.memory_space<vmem>> -> memref<128x128xf32, #tpu.memory_space<vmem>>
      %dma_start3A_49 = arith.constant 0 : i32
      %dma_start3A_50 = tpu.memref_slice %arg8[%dma_start3A_43, %dma_start3A_49] : memref<8x128xi32, #tpu.memory_space<vmem>> -> memref<1x128xi32, #tpu.memory_space<vmem>>
      %dma_start3A_51 = tpu.memref_squeeze %dma_start3A_50 : memref<1x128xi32, #tpu.memory_space<vmem>> -> memref<128xi32, #tpu.memory_space<vmem>>
      %dma_start3A_52 = arith.constant 0 : i32
      %dma_start3A_53 = arith.constant 0 : i32
      %dma_start3A_54 = tpu.memref_slice %arg2[%dma_start3A_52, %dma_start3A_53] : memref<20480x128xf32, #tpu.memory_space<hbm>> -> memref<20480x128xf32, #tpu.memory_space<hbm>>
      tpu.enqueue_indirect_dma source(%dma_start3A_54 : memref<20480x128xf32, #tpu.memory_space<hbm>>) target(%dma_start3A_48 : memref<128x128xf32, #tpu.memory_space<vmem>>) offsets(%dma_start3A_51 : memref<128xi32, #tpu.memory_space<vmem>>) semaphore(%arg12 : memref<!tpu.dma_semaphore, #tpu.memory_space<semaphore_mem>>)
      %scan3A = arith.constant 0 : i32
      %scan3A_55 = arith.constant 0 : i32
      %scan3A_56 = arith.constant 4 : i32
      %scan3A_57 = arith.addi %scan3A_55, %scan3A_56 : i32
      %scan3A_58 = arith.constant 1 : i32
      scf.for %scan3A_60 = %scan3A_55 to %scan3A_57 step %scan3A_58  : i32 {
        %mul3A_61 = arith.constant 2 : i32
        %mul3A_62 = arith.muli %scan3A_60, %mul3A_61 : i32
        %dma_wait3A = arith.constant 0 : i32
        %dma_wait3A_63 = arith.constant 0 : i32
        %dma_wait3A_64 = arith.constant 0 : i32
        %dma_wait3A_65 = tpu.memref_slice %arg10[%dma_wait3A, %dma_wait3A_63, %dma_wait3A_64] : memref<2x128x128xf32, #tpu.memory_space<vmem>> -> memref<1x128x128xf32, #tpu.memory_space<vmem>>
        %dma_wait3A_66 = tpu.memref_squeeze %dma_wait3A_65 : memref<1x128x128xf32, #tpu.memory_space<vmem>> -> memref<128x128xf32, #tpu.memory_space<vmem>>
        %dma_wait3A_67 = arith.constant 0 : i32
        %dma_wait3A_68 = tpu.memref_slice %arg8[%mul3A_62, %dma_wait3A_67] : memref<8x128xi32, #tpu.memory_space<vmem>> -> memref<1x128xi32, #tpu.memory_space<vmem>>
        %dma_wait3A_69 = tpu.memref_squeeze %dma_wait3A_68 : memref<1x128xi32, #tpu.memory_space<vmem>> -> memref<128xi32, #tpu.memory_space<vmem>>
        %dma_wait3A_70 = arith.constant 0 : i32
        %dma_wait3A_71 = arith.constant 0 : i32
        %dma_wait3A_72 = tpu.memref_slice %arg2[%dma_wait3A_70, %dma_wait3A_71] : memref<20480x128xf32, #tpu.memory_space<hbm>> -> memref<20480x128xf32, #tpu.memory_space<hbm>>
        tpu.wait_indirect_dma semaphore(%arg11 : memref<!tpu.dma_semaphore, #tpu.memory_space<semaphore_mem>>) src(%dma_wait3A_72 : memref<20480x128xf32, #tpu.memory_space<hbm>>) dst(%dma_wait3A_66 : memref<128x128xf32, #tpu.memory_space<vmem>>)
        %dma_start3A_73 = arith.constant 0 : i32
        %dma_start3A_74 = arith.constant 0 : i32
        %dma_start3A_75 = arith.constant 0 : i32
        %dma_start3A_76 = tpu.memref_slice %arg10[%dma_start3A_73, %dma_start3A_74, %dma_start3A_75] : memref<2x128x128xf32, #tpu.memory_space<vmem>> -> memref<1x128x128xf32, #tpu.memory_space<vmem>>
        %dma_start3A_77 = tpu.memref_squeeze %dma_start3A_76 : memref<1x128x128xf32, #tpu.memory_space<vmem>> -> memref<128x128xf32, #tpu.memory_space<vmem>>
        %dma_start3A_78 = arith.constant 0 : i32
        %dma_start3A_79 = tpu.memref_slice %arg9[%mul3A_62, %dma_start3A_78] : memref<8x128xi32, #tpu.memory_space<vmem>> -> memref<1x128xi32, #tpu.memory_space<vmem>>
        %dma_start3A_80 = tpu.memref_squeeze %dma_start3A_79 : memref<1x128xi32, #tpu.memory_space<vmem>> -> memref<128xi32, #tpu.memory_space<vmem>>
        %dma_start3A_81 = arith.constant 0 : i32
        %dma_start3A_82 = arith.constant 0 : i32
        %dma_start3A_83 = tpu.memref_slice %arg7[%dma_start3A_81, %dma_start3A_82] : memref<10240x128xf32, #tpu.memory_space<vmem_shared>> -> memref<10240x128xf32, #tpu.memory_space<vmem_shared>>
        tpu.enqueue_indirect_dma source(%dma_start3A_77 : memref<128x128xf32, #tpu.memory_space<vmem>>) target(%dma_start3A_83 : memref<10240x128xf32, #tpu.memory_space<vmem_shared>>) offsets(%dma_start3A_80 : memref<128xi32, #tpu.memory_space<vmem>>) semaphore(%arg13 : memref<!tpu.dma_semaphore, #tpu.memory_space<semaphore_mem>>) {add = true}
        %add3A_84 = arith.constant 1 : i32
        %add3A_85 = arith.addi %mul3A_62, %add3A_84 : i32
        %dma_wait3A_86 = arith.constant 1 : i32
        %dma_wait3A_87 = arith.constant 0 : i32
        %dma_wait3A_88 = arith.constant 0 : i32
        %dma_wait3A_89 = tpu.memref_slice %arg10[%dma_wait3A_86, %dma_wait3A_87, %dma_wait3A_88] : memref<2x128x128xf32, #tpu.memory_space<vmem>> -> memref<1x128x128xf32, #tpu.memory_space<vmem>>
        %dma_wait3A_90 = tpu.memref_squeeze %dma_wait3A_89 : memref<1x128x128xf32, #tpu.memory_space<vmem>> -> memref<128x128xf32, #tpu.memory_space<vmem>>
        %dma_wait3A_91 = arith.constant 0 : i32
        %dma_wait3A_92 = tpu.memref_slice %arg8[%add3A_85, %dma_wait3A_91] : memref<8x128xi32, #tpu.memory_space<vmem>> -> memref<1x128xi32, #tpu.memory_space<vmem>>
        %dma_wait3A_93 = tpu.memref_squeeze %dma_wait3A_92 : memref<1x128xi32, #tpu.memory_space<vmem>> -> memref<128xi32, #tpu.memory_space<vmem>>
        %dma_wait3A_94 = arith.constant 0 : i32
        %dma_wait3A_95 = arith.constant 0 : i32
        %dma_wait3A_96 = tpu.memref_slice %arg2[%dma_wait3A_94, %dma_wait3A_95] : memref<20480x128xf32, #tpu.memory_space<hbm>> -> memref<20480x128xf32, #tpu.memory_space<hbm>>
        tpu.wait_indirect_dma semaphore(%arg12 : memref<!tpu.dma_semaphore, #tpu.memory_space<semaphore_mem>>) src(%dma_wait3A_96 : memref<20480x128xf32, #tpu.memory_space<hbm>>) dst(%dma_wait3A_90 : memref<128x128xf32, #tpu.memory_space<vmem>>)
        %add3A_97 = arith.constant 1 : i32
        %add3A_98 = arith.addi %mul3A_62, %add3A_97 : i32
        %dma_start3A_99 = arith.constant 1 : i32
        %dma_start3A_100 = arith.constant 0 : i32
        %dma_start3A_101 = arith.constant 0 : i32
        %dma_start3A_102 = tpu.memref_slice %arg10[%dma_start3A_99, %dma_start3A_100, %dma_start3A_101] : memref<2x128x128xf32, #tpu.memory_space<vmem>> -> memref<1x128x128xf32, #tpu.memory_space<vmem>>
        %dma_start3A_103 = tpu.memref_squeeze %dma_start3A_102 : memref<1x128x128xf32, #tpu.memory_space<vmem>> -> memref<128x128xf32, #tpu.memory_space<vmem>>
        %dma_start3A_104 = arith.constant 0 : i32
        %dma_start3A_105 = tpu.memref_slice %arg9[%add3A_98, %dma_start3A_104] : memref<8x128xi32, #tpu.memory_space<vmem>> -> memref<1x128xi32, #tpu.memory_space<vmem>>
        %dma_start3A_106 = tpu.memref_squeeze %dma_start3A_105 : memref<1x128xi32, #tpu.memory_space<vmem>> -> memref<128xi32, #tpu.memory_space<vmem>>
        %dma_start3A_107 = arith.constant 0 : i32
        %dma_start3A_108 = arith.constant 0 : i32
        %dma_start3A_109 = tpu.memref_slice %arg7[%dma_start3A_107, %dma_start3A_108] : memref<10240x128xf32, #tpu.memory_space<vmem_shared>> -> memref<10240x128xf32, #tpu.memory_space<vmem_shared>>
        tpu.enqueue_indirect_dma source(%dma_start3A_103 : memref<128x128xf32, #tpu.memory_space<vmem>>) target(%dma_start3A_109 : memref<10240x128xf32, #tpu.memory_space<vmem_shared>>) offsets(%dma_start3A_106 : memref<128xi32, #tpu.memory_space<vmem>>) semaphore(%arg14 : memref<!tpu.dma_semaphore, #tpu.memory_space<semaphore_mem>>) {add = true}
        %dma_wait3A_110 = arith.constant 0 : i32
        %dma_wait3A_111 = arith.constant 0 : i32
        %dma_wait3A_112 = arith.constant 0 : i32
        %dma_wait3A_113 = tpu.memref_slice %arg10[%dma_wait3A_110, %dma_wait3A_111, %dma_wait3A_112] : memref<2x128x128xf32, #tpu.memory_space<vmem>> -> memref<1x128x128xf32, #tpu.memory_space<vmem>>
        %dma_wait3A_114 = tpu.memref_squeeze %dma_wait3A_113 : memref<1x128x128xf32, #tpu.memory_space<vmem>> -> memref<128x128xf32, #tpu.memory_space<vmem>>
        %dma_wait3A_115 = arith.constant 0 : i32
        %dma_wait3A_116 = tpu.memref_slice %arg9[%mul3A_62, %dma_wait3A_115] : memref<8x128xi32, #tpu.memory_space<vmem>> -> memref<1x128xi32, #tpu.memory_space<vmem>>
        %dma_wait3A_117 = tpu.memref_squeeze %dma_wait3A_116 : memref<1x128xi32, #tpu.memory_space<vmem>> -> memref<128xi32, #tpu.memory_space<vmem>>
        %dma_wait3A_118 = arith.constant 0 : i32
        %dma_wait3A_119 = arith.constant 0 : i32
        %dma_wait3A_120 = tpu.memref_slice %arg7[%dma_wait3A_118, %dma_wait3A_119] : memref<10240x128xf32, #tpu.memory_space<vmem_shared>> -> memref<10240x128xf32, #tpu.memory_space<vmem_shared>>
        tpu.wait_indirect_dma semaphore(%arg13 : memref<!tpu.dma_semaphore, #tpu.memory_space<semaphore_mem>>) src(%dma_wait3A_114 : memref<128x128xf32, #tpu.memory_space<vmem>>) dst(%dma_wait3A_120 : memref<10240x128xf32, #tpu.memory_space<vmem_shared>>)
        %add3A_121 = arith.constant 2 : i32
        %add3A_122 = arith.addi %mul3A_62, %add3A_121 : i32
        %lt3A = arith.constant 8 : i32
        %lt3A_123 = arith.cmpi slt, %add3A_122, %lt3A : i32
        %convert_element_type3A = arith.extui %lt3A_123 : i1 to i32
        %cond3A = arith.constant 0 : i32
        %cond3A_124 = arith.cmpi ne, %convert_element_type3A, %cond3A : i32
        scf.if %cond3A_124 {
          %add3A_143 = arith.constant 2 : i32
          %add3A_144 = arith.addi %mul3A_62, %add3A_143 : i32
          %dma_start3A_145 = arith.constant 0 : i32
          %dma_start3A_146 = arith.constant 0 : i32
          %dma_start3A_147 = arith.constant 0 : i32
          %dma_start3A_148 = tpu.memref_slice %arg10[%dma_start3A_145, %dma_start3A_146, %dma_start3A_147] : memref<2x128x128xf32, #tpu.memory_space<vmem>> -> memref<1x128x128xf32, #tpu.memory_space<vmem>>
          %dma_start3A_149 = tpu.memref_squeeze %dma_start3A_148 : memref<1x128x128xf32, #tpu.memory_space<vmem>> -> memref<128x128xf32, #tpu.memory_space<vmem>>
          %dma_start3A_150 = arith.constant 0 : i32
          %dma_start3A_151 = tpu.memref_slice %arg8[%add3A_144, %dma_start3A_150] : memref<8x128xi32, #tpu.memory_space<vmem>> -> memref<1x128xi32, #tpu.memory_space<vmem>>
          %dma_start3A_152 = tpu.memref_squeeze %dma_start3A_151 : memref<1x128xi32, #tpu.memory_space<vmem>> -> memref<128xi32, #tpu.memory_space<vmem>>
          %dma_start3A_153 = arith.constant 0 : i32
          %dma_start3A_154 = arith.constant 0 : i32
          %dma_start3A_155 = tpu.memref_slice %arg2[%dma_start3A_153, %dma_start3A_154] : memref<20480x128xf32, #tpu.memory_space<hbm>> -> memref<20480x128xf32, #tpu.memory_space<hbm>>
          tpu.enqueue_indirect_dma source(%dma_start3A_155 : memref<20480x128xf32, #tpu.memory_space<hbm>>) target(%dma_start3A_149 : memref<128x128xf32, #tpu.memory_space<vmem>>) offsets(%dma_start3A_152 : memref<128xi32, #tpu.memory_space<vmem>>) semaphore(%arg11 : memref<!tpu.dma_semaphore, #tpu.memory_space<semaphore_mem>>)
        } else {
        }
        %dma_wait3A_125 = arith.constant 1 : i32
        %dma_wait3A_126 = arith.constant 0 : i32
        %dma_wait3A_127 = arith.constant 0 : i32
        %dma_wait3A_128 = tpu.memref_slice %arg10[%dma_wait3A_125, %dma_wait3A_126, %dma_wait3A_127] : memref<2x128x128xf32, #tpu.memory_space<vmem>> -> memref<1x128x128xf32, #tpu.memory_space<vmem>>
        %dma_wait3A_129 = tpu.memref_squeeze %dma_wait3A_128 : memref<1x128x128xf32, #tpu.memory_space<vmem>> -> memref<128x128xf32, #tpu.memory_space<vmem>>
        %dma_wait3A_130 = arith.constant 0 : i32
        %dma_wait3A_131 = tpu.memref_slice %arg9[%add3A_98, %dma_wait3A_130] : memref<8x128xi32, #tpu.memory_space<vmem>> -> memref<1x128xi32, #tpu.memory_space<vmem>>
        %dma_wait3A_132 = tpu.memref_squeeze %dma_wait3A_131 : memref<1x128xi32, #tpu.memory_space<vmem>> -> memref<128xi32, #tpu.memory_space<vmem>>
        %dma_wait3A_133 = arith.constant 0 : i32
        %dma_wait3A_134 = arith.constant 0 : i32
        %dma_wait3A_135 = tpu.memref_slice %arg7[%dma_wait3A_133, %dma_wait3A_134] : memref<10240x128xf32, #tpu.memory_space<vmem_shared>> -> memref<10240x128xf32, #tpu.memory_space<vmem_shared>>
        tpu.wait_indirect_dma semaphore(%arg14 : memref<!tpu.dma_semaphore, #tpu.memory_space<semaphore_mem>>) src(%dma_wait3A_129 : memref<128x128xf32, #tpu.memory_space<vmem>>) dst(%dma_wait3A_135 : memref<10240x128xf32, #tpu.memory_space<vmem_shared>>)
        %add3A_136 = arith.constant 3 : i32
        %add3A_137 = arith.addi %mul3A_62, %add3A_136 : i32
        %lt3A_138 = arith.constant 8 : i32
        %lt3A_139 = arith.cmpi slt, %add3A_137, %lt3A_138 : i32
        %convert_element_type3A_140 = arith.extui %lt3A_139 : i1 to i32
        %cond3A_141 = arith.constant 0 : i32
        %cond3A_142 = arith.cmpi ne, %convert_element_type3A_140, %cond3A_141 : i32
        scf.if %cond3A_142 {
          %add3A_143 = arith.constant 3 : i32
          %add3A_144 = arith.addi %mul3A_62, %add3A_143 : i32
          %dma_start3A_145 = arith.constant 1 : i32
          %dma_start3A_146 = arith.constant 0 : i32
          %dma_start3A_147 = arith.constant 0 : i32
          %dma_start3A_148 = tpu.memref_slice %arg10[%dma_start3A_145, %dma_start3A_146, %dma_start3A_147] : memref<2x128x128xf32, #tpu.memory_space<vmem>> -> memref<1x128x128xf32, #tpu.memory_space<vmem>>
          %dma_start3A_149 = tpu.memref_squeeze %dma_start3A_148 : memref<1x128x128xf32, #tpu.memory_space<vmem>> -> memref<128x128xf32, #tpu.memory_space<vmem>>
          %dma_start3A_150 = arith.constant 0 : i32
          %dma_start3A_151 = tpu.memref_slice %arg8[%add3A_144, %dma_start3A_150] : memref<8x128xi32, #tpu.memory_space<vmem>> -> memref<1x128xi32, #tpu.memory_space<vmem>>
          %dma_start3A_152 = tpu.memref_squeeze %dma_start3A_151 : memref<1x128xi32, #tpu.memory_space<vmem>> -> memref<128xi32, #tpu.memory_space<vmem>>
          %dma_start3A_153 = arith.constant 0 : i32
          %dma_start3A_154 = arith.constant 0 : i32
          %dma_start3A_155 = tpu.memref_slice %arg2[%dma_start3A_153, %dma_start3A_154] : memref<20480x128xf32, #tpu.memory_space<hbm>> -> memref<20480x128xf32, #tpu.memory_space<hbm>>
          tpu.enqueue_indirect_dma source(%dma_start3A_155 : memref<20480x128xf32, #tpu.memory_space<hbm>>) target(%dma_start3A_149 : memref<128x128xf32, #tpu.memory_space<vmem>>) offsets(%dma_start3A_152 : memref<128xi32, #tpu.memory_space<vmem>>) semaphore(%arg12 : memref<!tpu.dma_semaphore, #tpu.memory_space<semaphore_mem>>)
        } else {
        }
      }
      %scan3A_59 = arith.constant 4 : i32
    }
    %while3A_19 = arith.constant 1 : i32
    scf.for %while3A_25 = %while3A_17 to %while3A_13 step %while3A_19  : i32 {
      %mul3A_26 = arith.constant 8 : i32
      %mul3A_27 = arith.muli %while3A_25, %mul3A_26 : i32
      %add3A_28 = arith.addi %select_n3A, %mul3A_27 : i32
      "tpu.region"() ({
        %run_scoped3A = tpu.sem_alloc : memref<!tpu.dma_semaphore, #tpu.memory_space<semaphore_mem>>
        %dma_start3A_60 = arith.constant 0 : i32
        %dma_start3A_61 = tpu.memref_slice %arg3[%arg0, %add3A_28, %dma_start3A_60] : memref<2x2560x128xi32, #tpu.memory_space<hbm>> -> memref<1x8x128xi32, #tpu.memory_space<hbm>>
        %dma_start3A_62 = tpu.memref_squeeze %dma_start3A_61 : memref<1x8x128xi32, #tpu.memory_space<hbm>> -> memref<8x128xi32, #tpu.memory_space<hbm>>
        %dma_start3A_63 = arith.constant 0 : i32
        %dma_start3A_64 = tpu.memref_slice %arg3[%arg0, %add3A_28, %dma_start3A_63] : memref<2x2560x128xi32, #tpu.memory_space<hbm>> -> memref<1x8x128xi32, #tpu.memory_space<hbm>>
        %dma_start3A_65 = tpu.memref_squeeze %dma_start3A_64 : memref<1x8x128xi32, #tpu.memory_space<hbm>> -> memref<8x128xi32, #tpu.memory_space<hbm>>
        tpu.enqueue_dma source(%dma_start3A_65 : memref<8x128xi32, #tpu.memory_space<hbm>>) target(%arg8 : memref<8x128xi32, #tpu.memory_space<vmem>>) target_semaphore(%run_scoped3A : memref<!tpu.dma_semaphore, #tpu.memory_space<semaphore_mem>>)
        %dma_wait3A = arith.constant 0 : i32
        %dma_wait3A_66 = tpu.memref_slice %arg3[%arg0, %add3A_28, %dma_wait3A] : memref<2x2560x128xi32, #tpu.memory_space<hbm>> -> memref<1x8x128xi32, #tpu.memory_space<hbm>>
        %dma_wait3A_67 = tpu.memref_squeeze %dma_wait3A_66 : memref<1x8x128xi32, #tpu.memory_space<hbm>> -> memref<8x128xi32, #tpu.memory_space<hbm>>
        %dma_wait3A_68 = arith.constant 0 : i32
        %dma_wait3A_69 = tpu.memref_slice %arg3[%arg0, %add3A_28, %dma_wait3A_68] : memref<2x2560x128xi32, #tpu.memory_space<hbm>> -> memref<1x8x128xi32, #tpu.memory_space<hbm>>
        %dma_wait3A_70 = tpu.memref_squeeze %dma_wait3A_69 : memref<1x8x128xi32, #tpu.memory_space<hbm>> -> memref<8x128xi32, #tpu.memory_space<hbm>>
        tpu.wait_dma2 semaphore(%run_scoped3A : memref<!tpu.dma_semaphore, #tpu.memory_space<semaphore_mem>>) src(%dma_wait3A_70 : memref<8x128xi32, #tpu.memory_space<hbm>>) dst(%arg8 : memref<8x128xi32, #tpu.memory_space<vmem>>)
        tpu.yield
      }) : () -> ()
      %mul3A_29 = arith.constant 8 : i32
      %mul3A_30 = arith.muli %while3A_25, %mul3A_29 : i32
      %add3A_31 = arith.addi %select_n3A, %mul3A_30 : i32
      "tpu.region"() ({
        %run_scoped3A = tpu.sem_alloc : memref<!tpu.dma_semaphore, #tpu.memory_space<semaphore_mem>>
        %dma_start3A_60 = arith.constant 0 : i32
        %dma_start3A_61 = tpu.memref_slice %arg4[%add3A_31, %dma_start3A_60] : memref<2560x128xi32, #tpu.memory_space<hbm>> -> memref<8x128xi32, #tpu.memory_space<hbm>>
        %dma_start3A_62 = arith.constant 0 : i32
        %dma_start3A_63 = tpu.memref_slice %arg4[%add3A_31, %dma_start3A_62] : memref<2560x128xi32, #tpu.memory_space<hbm>> -> memref<8x128xi32, #tpu.memory_space<hbm>>
        tpu.enqueue_dma source(%dma_start3A_63 : memref<8x128xi32, #tpu.memory_space<hbm>>) target(%arg9 : memref<8x128xi32, #tpu.memory_space<vmem>>) target_semaphore(%run_scoped3A : memref<!tpu.dma_semaphore, #tpu.memory_space<semaphore_mem>>)
        %dma_wait3A = arith.constant 0 : i32
        %dma_wait3A_64 = tpu.memref_slice %arg4[%add3A_31, %dma_wait3A] : memref<2560x128xi32, #tpu.memory_space<hbm>> -> memref<8x128xi32, #tpu.memory_space<hbm>>
        %dma_wait3A_65 = arith.constant 0 : i32
        %dma_wait3A_66 = tpu.memref_slice %arg4[%add3A_31, %dma_wait3A_65] : memref<2560x128xi32, #tpu.memory_space<hbm>> -> memref<8x128xi32, #tpu.memory_space<hbm>>
        tpu.wait_dma2 semaphore(%run_scoped3A : memref<!tpu.dma_semaphore, #tpu.memory_space<semaphore_mem>>) src(%dma_wait3A_66 : memref<8x128xi32, #tpu.memory_space<hbm>>) dst(%arg9 : memref<8x128xi32, #tpu.memory_space<vmem>>)
        tpu.yield
      }) : () -> ()
      %dma_start3A = arith.constant 0 : i32
      %dma_start3A_32 = arith.constant 0 : i32
      %dma_start3A_33 = arith.constant 0 : i32
      %dma_start3A_34 = arith.constant 0 : i32
      %dma_start3A_35 = tpu.memref_slice %arg10[%dma_start3A_32, %dma_start3A_33, %dma_start3A_34] : memref<2x128x128xf32, #tpu.memory_space<vmem>> -> memref<1x128x128xf32, #tpu.memory_space<vmem>>
      %dma_start3A_36 = tpu.memref_squeeze %dma_start3A_35 : memref<1x128x128xf32, #tpu.memory_space<vmem>> -> memref<128x128xf32, #tpu.memory_space<vmem>>
      %dma_start3A_37 = arith.constant 0 : i32
      %dma_start3A_38 = tpu.memref_slice %arg8[%dma_start3A, %dma_start3A_37] : memref<8x128xi32, #tpu.memory_space<vmem>> -> memref<1x128xi32, #tpu.memory_space<vmem>>
      %dma_start3A_39 = tpu.memref_squeeze %dma_start3A_38 : memref<1x128xi32, #tpu.memory_space<vmem>> -> memref<128xi32, #tpu.memory_space<vmem>>
      %dma_start3A_40 = arith.constant 0 : i32
      %dma_start3A_41 = arith.constant 0 : i32
      %dma_start3A_42 = tpu.memref_slice %arg2[%dma_start3A_40, %dma_start3A_41] : memref<20480x128xf32, #tpu.memory_space<hbm>> -> memref<20480x128xf32, #tpu.memory_space<hbm>>
      tpu.enqueue_indirect_dma source(%dma_start3A_42 : memref<20480x128xf32, #tpu.memory_space<hbm>>) target(%dma_start3A_36 : memref<128x128xf32, #tpu.memory_space<vmem>>) offsets(%dma_start3A_39 : memref<128xi32, #tpu.memory_space<vmem>>) semaphore(%arg11 : memref<!tpu.dma_semaphore, #tpu.memory_space<semaphore_mem>>)
      %dma_start3A_43 = arith.constant 1 : i32
      %dma_start3A_44 = arith.constant 1 : i32
      %dma_start3A_45 = arith.constant 0 : i32
      %dma_start3A_46 = arith.constant 0 : i32
      %dma_start3A_47 = tpu.memref_slice %arg10[%dma_start3A_44, %dma_start3A_45, %dma_start3A_46] : memref<2x128x128xf32, #tpu.memory_space<vmem>> -> memref<1x128x128xf32, #tpu.memory_space<vmem>>
      %dma_start3A_48 = tpu.memref_squeeze %dma_start3A_47 : memref<1x128x128xf32, #tpu.memory_space<vmem>> -> memref<128x128xf32, #tpu.memory_space<vmem>>
      %dma_start3A_49 = arith.constant 0 : i32
      %dma_start3A_50 = tpu.memref_slice %arg8[%dma_start3A_43, %dma_start3A_49] : memref<8x128xi32, #tpu.memory_space<vmem>> -> memref<1x128xi32, #tpu.memory_space<vmem>>
      %dma_start3A_51 = tpu.memref_squeeze %dma_start3A_50 : memref<1x128xi32, #tpu.memory_space<vmem>> -> memref<128xi32, #tpu.memory_space<vmem>>
      %dma_start3A_52 = arith.constant 0 : i32
      %dma_start3A_53 = arith.constant 0 : i32
      %dma_start3A_54 = tpu.memref_slice %arg2[%dma_start3A_52, %dma_start3A_53] : memref<20480x128xf32, #tpu.memory_space<hbm>> -> memref<20480x128xf32, #tpu.memory_space<hbm>>
      tpu.enqueue_indirect_dma source(%dma_start3A_54 : memref<20480x128xf32, #tpu.memory_space<hbm>>) target(%dma_start3A_48 : memref<128x128xf32, #tpu.memory_space<vmem>>) offsets(%dma_start3A_51 : memref<128xi32, #tpu.memory_space<vmem>>) semaphore(%arg12 : memref<!tpu.dma_semaphore, #tpu.memory_space<semaphore_mem>>)
      %scan3A = arith.constant 0 : i32
      %scan3A_55 = arith.constant 0 : i32
      %scan3A_56 = arith.constant 4 : i32
      %scan3A_57 = arith.addi %scan3A_55, %scan3A_56 : i32
      %scan3A_58 = arith.constant 1 : i32
      scf.for %scan3A_60 = %scan3A_55 to %scan3A_57 step %scan3A_58  : i32 {
        %mul3A_61 = arith.constant 2 : i32
        %mul3A_62 = arith.muli %scan3A_60, %mul3A_61 : i32
        %dma_wait3A = arith.constant 0 : i32
        %dma_wait3A_63 = arith.constant 0 : i32
        %dma_wait3A_64 = arith.constant 0 : i32
        %dma_wait3A_65 = tpu.memref_slice %arg10[%dma_wait3A, %dma_wait3A_63, %dma_wait3A_64] : memref<2x128x128xf32, #tpu.memory_space<vmem>> -> memref<1x128x128xf32, #tpu.memory_space<vmem>>
        %dma_wait3A_66 = tpu.memref_squeeze %dma_wait3A_65 : memref<1x128x128xf32, #tpu.memory_space<vmem>> -> memref<128x128xf32, #tpu.memory_space<vmem>>
        %dma_wait3A_67 = arith.constant 0 : i32
        %dma_wait3A_68 = tpu.memref_slice %arg8[%mul3A_62, %dma_wait3A_67] : memref<8x128xi32, #tpu.memory_space<vmem>> -> memref<1x128xi32, #tpu.memory_space<vmem>>
        %dma_wait3A_69 = tpu.memref_squeeze %dma_wait3A_68 : memref<1x128xi32, #tpu.memory_space<vmem>> -> memref<128xi32, #tpu.memory_space<vmem>>
        %dma_wait3A_70 = arith.constant 0 : i32
        %dma_wait3A_71 = arith.constant 0 : i32
        %dma_wait3A_72 = tpu.memref_slice %arg2[%dma_wait3A_70, %dma_wait3A_71] : memref<20480x128xf32, #tpu.memory_space<hbm>> -> memref<20480x128xf32, #tpu.memory_space<hbm>>
        tpu.wait_indirect_dma semaphore(%arg11 : memref<!tpu.dma_semaphore, #tpu.memory_space<semaphore_mem>>) src(%dma_wait3A_72 : memref<20480x128xf32, #tpu.memory_space<hbm>>) dst(%dma_wait3A_66 : memref<128x128xf32, #tpu.memory_space<vmem>>)
        %dma_start3A_73 = arith.constant 0 : i32
        %dma_start3A_74 = arith.constant 0 : i32
        %dma_start3A_75 = arith.constant 0 : i32
        %dma_start3A_76 = tpu.memref_slice %arg10[%dma_start3A_73, %dma_start3A_74, %dma_start3A_75] : memref<2x128x128xf32, #tpu.memory_space<vmem>> -> memref<1x128x128xf32, #tpu.memory_space<vmem>>
        %dma_start3A_77 = tpu.memref_squeeze %dma_start3A_76 : memref<1x128x128xf32, #tpu.memory_space<vmem>> -> memref<128x128xf32, #tpu.memory_space<vmem>>
        %dma_start3A_78 = arith.constant 0 : i32
        %dma_start3A_79 = tpu.memref_slice %arg9[%mul3A_62, %dma_start3A_78] : memref<8x128xi32, #tpu.memory_space<vmem>> -> memref<1x128xi32, #tpu.memory_space<vmem>>
        %dma_start3A_80 = tpu.memref_squeeze %dma_start3A_79 : memref<1x128xi32, #tpu.memory_space<vmem>> -> memref<128xi32, #tpu.memory_space<vmem>>
        %dma_start3A_81 = arith.constant 0 : i32
        %dma_start3A_82 = arith.constant 0 : i32
        %dma_start3A_83 = tpu.memref_slice %arg7[%dma_start3A_81, %dma_start3A_82] : memref<10240x128xf32, #tpu.memory_space<vmem_shared>> -> memref<10240x128xf32, #tpu.memory_space<vmem_shared>>
        tpu.enqueue_indirect_dma source(%dma_start3A_77 : memref<128x128xf32, #tpu.memory_space<vmem>>) target(%dma_start3A_83 : memref<10240x128xf32, #tpu.memory_space<vmem_shared>>) offsets(%dma_start3A_80 : memref<128xi32, #tpu.memory_space<vmem>>) semaphore(%arg13 : memref<!tpu.dma_semaphore, #tpu.memory_space<semaphore_mem>>) {add = true}
        %add3A_84 = arith.constant 1 : i32
        %add3A_85 = arith.addi %mul3A_62, %add3A_84 : i32
        %dma_wait3A_86 = arith.constant 1 : i32
        %dma_wait3A_87 = arith.constant 0 : i32
        %dma_wait3A_88 = arith.constant 0 : i32
        %dma_wait3A_89 = tpu.memref_slice %arg10[%dma_wait3A_86, %dma_wait3A_87, %dma_wait3A_88] : memref<2x128x128xf32, #tpu.memory_space<vmem>> -> memref<1x128x128xf32, #tpu.memory_space<vmem>>
        %dma_wait3A_90 = tpu.memref_squeeze %dma_wait3A_89 : memref<1x128x128xf32, #tpu.memory_space<vmem>> -> memref<128x128xf32, #tpu.memory_space<vmem>>
        %dma_wait3A_91 = arith.constant 0 : i32
        %dma_wait3A_92 = tpu.memref_slice %arg8[%add3A_85, %dma_wait3A_91] : memref<8x128xi32, #tpu.memory_space<vmem>> -> memref<1x128xi32, #tpu.memory_space<vmem>>
        %dma_wait3A_93 = tpu.memref_squeeze %dma_wait3A_92 : memref<1x128xi32, #tpu.memory_space<vmem>> -> memref<128xi32, #tpu.memory_space<vmem>>
        %dma_wait3A_94 = arith.constant 0 : i32
        %dma_wait3A_95 = arith.constant 0 : i32
        %dma_wait3A_96 = tpu.memref_slice %arg2[%dma_wait3A_94, %dma_wait3A_95] : memref<20480x128xf32, #tpu.memory_space<hbm>> -> memref<20480x128xf32, #tpu.memory_space<hbm>>
        tpu.wait_indirect_dma semaphore(%arg12 : memref<!tpu.dma_semaphore, #tpu.memory_space<semaphore_mem>>) src(%dma_wait3A_96 : memref<20480x128xf32, #tpu.memory_space<hbm>>) dst(%dma_wait3A_90 : memref<128x128xf32, #tpu.memory_space<vmem>>)
        %add3A_97 = arith.constant 1 : i32
        %add3A_98 = arith.addi %mul3A_62, %add3A_97 : i32
        %dma_start3A_99 = arith.constant 1 : i32
        %dma_start3A_100 = arith.constant 0 : i32
        %dma_start3A_101 = arith.constant 0 : i32
        %dma_start3A_102 = tpu.memref_slice %arg10[%dma_start3A_99, %dma_start3A_100, %dma_start3A_101] : memref<2x128x128xf32, #tpu.memory_space<vmem>> -> memref<1x128x128xf32, #tpu.memory_space<vmem>>
        %dma_start3A_103 = tpu.memref_squeeze %dma_start3A_102 : memref<1x128x128xf32, #tpu.memory_space<vmem>> -> memref<128x128xf32, #tpu.memory_space<vmem>>
        %dma_start3A_104 = arith.constant 0 : i32
        %dma_start3A_105 = tpu.memref_slice %arg9[%add3A_98, %dma_start3A_104] : memref<8x128xi32, #tpu.memory_space<vmem>> -> memref<1x128xi32, #tpu.memory_space<vmem>>
        %dma_start3A_106 = tpu.memref_squeeze %dma_start3A_105 : memref<1x128xi32, #tpu.memory_space<vmem>> -> memref<128xi32, #tpu.memory_space<vmem>>
        %dma_start3A_107 = arith.constant 0 : i32
        %dma_start3A_108 = arith.constant 0 : i32
        %dma_start3A_109 = tpu.memref_slice %arg7[%dma_start3A_107, %dma_start3A_108] : memref<10240x128xf32, #tpu.memory_space<vmem_shared>> -> memref<10240x128xf32, #tpu.memory_space<vmem_shared>>
        tpu.enqueue_indirect_dma source(%dma_start3A_103 : memref<128x128xf32, #tpu.memory_space<vmem>>) target(%dma_start3A_109 : memref<10240x128xf32, #tpu.memory_space<vmem_shared>>) offsets(%dma_start3A_106 : memref<128xi32, #tpu.memory_space<vmem>>) semaphore(%arg14 : memref<!tpu.dma_semaphore, #tpu.memory_space<semaphore_mem>>) {add = true}
        %dma_wait3A_110 = arith.constant 0 : i32
        %dma_wait3A_111 = arith.constant 0 : i32
        %dma_wait3A_112 = arith.constant 0 : i32
        %dma_wait3A_113 = tpu.memref_slice %arg10[%dma_wait3A_110, %dma_wait3A_111, %dma_wait3A_112] : memref<2x128x128xf32, #tpu.memory_space<vmem>> -> memref<1x128x128xf32, #tpu.memory_space<vmem>>
        %dma_wait3A_114 = tpu.memref_squeeze %dma_wait3A_113 : memref<1x128x128xf32, #tpu.memory_space<vmem>> -> memref<128x128xf32, #tpu.memory_space<vmem>>
        %dma_wait3A_115 = arith.constant 0 : i32
        %dma_wait3A_116 = tpu.memref_slice %arg9[%mul3A_62, %dma_wait3A_115] : memref<8x128xi32, #tpu.memory_space<vmem>> -> memref<1x128xi32, #tpu.memory_space<vmem>>
        %dma_wait3A_117 = tpu.memref_squeeze %dma_wait3A_116 : memref<1x128xi32, #tpu.memory_space<vmem>> -> memref<128xi32, #tpu.memory_space<vmem>>
        %dma_wait3A_118 = arith.constant 0 : i32
        %dma_wait3A_119 = arith.constant 0 : i32
        %dma_wait3A_120 = tpu.memref_slice %arg7[%dma_wait3A_118, %dma_wait3A_119] : memref<10240x128xf32, #tpu.memory_space<vmem_shared>> -> memref<10240x128xf32, #tpu.memory_space<vmem_shared>>
        tpu.wait_indirect_dma semaphore(%arg13 : memref<!tpu.dma_semaphore, #tpu.memory_space<semaphore_mem>>) src(%dma_wait3A_114 : memref<128x128xf32, #tpu.memory_space<vmem>>) dst(%dma_wait3A_120 : memref<10240x128xf32, #tpu.memory_space<vmem_shared>>)
        %add3A_121 = arith.constant 2 : i32
        %add3A_122 = arith.addi %mul3A_62, %add3A_121 : i32
        %lt3A = arith.constant 8 : i32
        %lt3A_123 = arith.cmpi slt, %add3A_122, %lt3A : i32
        %convert_element_type3A = arith.extui %lt3A_123 : i1 to i32
        %cond3A = arith.constant 0 : i32
        %cond3A_124 = arith.cmpi ne, %convert_element_type3A, %cond3A : i32
        scf.if %cond3A_124 {
          %add3A_143 = arith.constant 2 : i32
          %add3A_144 = arith.addi %mul3A_62, %add3A_143 : i32
          %dma_start3A_145 = arith.constant 0 : i32
          %dma_start3A_146 = arith.constant 0 : i32
          %dma_start3A_147 = arith.constant 0 : i32
          %dma_start3A_148 = tpu.memref_slice %arg10[%dma_start3A_145, %dma_start3A_146, %dma_start3A_147] : memref<2x128x128xf32, #tpu.memory_space<vmem>> -> memref<1x128x128xf32, #tpu.memory_space<vmem>>
          %dma_start3A_149 = tpu.memref_squeeze %dma_start3A_148 : memref<1x128x128xf32, #tpu.memory_space<vmem>> -> memref<128x128xf32, #tpu.memory_space<vmem>>
          %dma_start3A_150 = arith.constant 0 : i32
          %dma_start3A_151 = tpu.memref_slice %arg8[%add3A_144, %dma_start3A_150] : memref<8x128xi32, #tpu.memory_space<vmem>> -> memref<1x128xi32, #tpu.memory_space<vmem>>
          %dma_start3A_152 = tpu.memref_squeeze %dma_start3A_151 : memref<1x128xi32, #tpu.memory_space<vmem>> -> memref<128xi32, #tpu.memory_space<vmem>>
          %dma_start3A_153 = arith.constant 0 : i32
          %dma_start3A_154 = arith.constant 0 : i32
          %dma_start3A_155 = tpu.memref_slice %arg2[%dma_start3A_153, %dma_start3A_154] : memref<20480x128xf32, #tpu.memory_space<hbm>> -> memref<20480x128xf32, #tpu.memory_space<hbm>>
          tpu.enqueue_indirect_dma source(%dma_start3A_155 : memref<20480x128xf32, #tpu.memory_space<hbm>>) target(%dma_start3A_149 : memref<128x128xf32, #tpu.memory_space<vmem>>) offsets(%dma_start3A_152 : memref<128xi32, #tpu.memory_space<vmem>>) semaphore(%arg11 : memref<!tpu.dma_semaphore, #tpu.memory_space<semaphore_mem>>)
        } else {
        }
        %dma_wait3A_125 = arith.constant 1 : i32
        %dma_wait3A_126 = arith.constant 0 : i32
        %dma_wait3A_127 = arith.constant 0 : i32
        %dma_wait3A_128 = tpu.memref_slice %arg10[%dma_wait3A_125, %dma_wait3A_126, %dma_wait3A_127] : memref<2x128x128xf32, #tpu.memory_space<vmem>> -> memref<1x128x128xf32, #tpu.memory_space<vmem>>
        %dma_wait3A_129 = tpu.memref_squeeze %dma_wait3A_128 : memref<1x128x128xf32, #tpu.memory_space<vmem>> -> memref<128x128xf32, #tpu.memory_space<vmem>>
        %dma_wait3A_130 = arith.constant 0 : i32
        %dma_wait3A_131 = tpu.memref_slice %arg9[%add3A_98, %dma_wait3A_130] : memref<8x128xi32, #tpu.memory_space<vmem>> -> memref<1x128xi32, #tpu.memory_space<vmem>>
        %dma_wait3A_132 = tpu.memref_squeeze %dma_wait3A_131 : memref<1x128xi32, #tpu.memory_space<vmem>> -> memref<128xi32, #tpu.memory_space<vmem>>
        %dma_wait3A_133 = arith.constant 0 : i32
        %dma_wait3A_134 = arith.constant 0 : i32
        %dma_wait3A_135 = tpu.memref_slice %arg7[%dma_wait3A_133, %dma_wait3A_134] : memref<10240x128xf32, #tpu.memory_space<vmem_shared>> -> memref<10240x128xf32, #tpu.memory_space<vmem_shared>>
        tpu.wait_indirect_dma semaphore(%arg14 : memref<!tpu.dma_semaphore, #tpu.memory_space<semaphore_mem>>) src(%dma_wait3A_129 : memref<128x128xf32, #tpu.memory_space<vmem>>) dst(%dma_wait3A_135 : memref<10240x128xf32, #tpu.memory_space<vmem_shared>>)
        %add3A_136 = arith.constant 3 : i32
        %add3A_137 = arith.addi %mul3A_62, %add3A_136 : i32
        %lt3A_138 = arith.constant 8 : i32
        %lt3A_139 = arith.cmpi slt, %add3A_137, %lt3A_138 : i32
        %convert_element_type3A_140 = arith.extui %lt3A_139 : i1 to i32
        %cond3A_141 = arith.constant 0 : i32
        %cond3A_142 = arith.cmpi ne, %convert_element_type3A_140, %cond3A_141 : i32
        scf.if %cond3A_142 {
          %add3A_143 = arith.constant 3 : i32
          %add3A_144 = arith.addi %mul3A_62, %add3A_143 : i32
          %dma_start3A_145 = arith.constant 1 : i32
          %dma_start3A_146 = arith.constant 0 : i32
          %dma_start3A_147 = arith.constant 0 : i32
          %dma_start3A_148 = tpu.memref_slice %arg10[%dma_start3A_145, %dma_start3A_146, %dma_start3A_147] : memref<2x128x128xf32, #tpu.memory_space<vmem>> -> memref<1x128x128xf32, #tpu.memory_space<vmem>>
          %dma_start3A_149 = tpu.memref_squeeze %dma_start3A_148 : memref<1x128x128xf32, #tpu.memory_space<vmem>> -> memref<128x128xf32, #tpu.memory_space<vmem>>
          %dma_start3A_150 = arith.constant 0 : i32
          %dma_start3A_151 = tpu.memref_slice %arg8[%add3A_144, %dma_start3A_150] : memref<8x128xi32, #tpu.memory_space<vmem>> -> memref<1x128xi32, #tpu.memory_space<vmem>>
          %dma_start3A_152 = tpu.memref_squeeze %dma_start3A_151 : memref<1x128xi32, #tpu.memory_space<vmem>> -> memref<128xi32, #tpu.memory_space<vmem>>
          %dma_start3A_153 = arith.constant 0 : i32
          %dma_start3A_154 = arith.constant 0 : i32
          %dma_start3A_155 = tpu.memref_slice %arg2[%dma_start3A_153, %dma_start3A_154] : memref<20480x128xf32, #tpu.memory_space<hbm>> -> memref<20480x128xf32, #tpu.memory_space<hbm>>
          tpu.enqueue_indirect_dma source(%dma_start3A_155 : memref<20480x128xf32, #tpu.memory_space<hbm>>) target(%dma_start3A_149 : memref<128x128xf32, #tpu.memory_space<vmem>>) offsets(%dma_start3A_152 : memref<128xi32, #tpu.memory_space<vmem>>) semaphore(%arg12 : memref<!tpu.dma_semaphore, #tpu.memory_space<semaphore_mem>>)
        } else {
        }
      }
      %scan3A_59 = arith.constant 4 : i32
    }
    %barrier3A_20 = arith.constant 0 : index
    tpu.barrier barrier_id(%barrier3A_20)
    %mul3A_21 = arith.constant 640 : i32
    %mul3A_22 = arith.muli %arg1, %mul3A_21 : i32
    %mul3A_23 = arith.constant 640 : i32
    %mul3A_24 = arith.muli %arg1, %mul3A_23 : i32
    "tpu.region"() ({
      %run_scoped3A = tpu.sem_alloc : memref<!tpu.dma_semaphore, #tpu.memory_space<semaphore_mem>>
      %dma_start3A = arith.constant 0 : i32
      %dma_start3A_25 = tpu.memref_slice %arg6[%arg0, %mul3A_24, %dma_start3A] : memref<2x10240x128xf32, #tpu.memory_space<hbm>> -> memref<1x640x128xf32, #tpu.memory_space<hbm>>
      %dma_start3A_26 = tpu.memref_squeeze %dma_start3A_25 : memref<1x640x128xf32, #tpu.memory_space<hbm>> -> memref<640x128xf32, #tpu.memory_space<hbm>>
      %dma_start3A_27 = arith.constant 0 : i32
      %dma_start3A_28 = tpu.memref_slice %arg7[%mul3A_22, %dma_start3A_27] : memref<10240x128xf32, #tpu.memory_space<vmem_shared>> -> memref<640x128xf32, #tpu.memory_space<vmem_shared>>
      tpu.enqueue_dma source(%dma_start3A_28 : memref<640x128xf32, #tpu.memory_space<vmem_shared>>) target(%dma_start3A_26 : memref<640x128xf32, #tpu.memory_space<hbm>>) target_semaphore(%run_scoped3A : memref<!tpu.dma_semaphore, #tpu.memory_space<semaphore_mem>>)
      %dma_wait3A = arith.constant 0 : i32
      %dma_wait3A_29 = tpu.memref_slice %arg6[%arg0, %mul3A_24, %dma_wait3A] : memref<2x10240x128xf32, #tpu.memory_space<hbm>> -> memref<1x640x128xf32, #tpu.memory_space<hbm>>
      %dma_wait3A_30 = tpu.memref_squeeze %dma_wait3A_29 : memref<1x640x128xf32, #tpu.memory_space<hbm>> -> memref<640x128xf32, #tpu.memory_space<hbm>>
      %dma_wait3A_31 = arith.constant 0 : i32
      %dma_wait3A_32 = tpu.memref_slice %arg7[%mul3A_22, %dma_wait3A_31] : memref<10240x128xf32, #tpu.memory_space<vmem_shared>> -> memref<640x128xf32, #tpu.memory_space<vmem_shared>>
      tpu.wait_dma2 semaphore(%run_scoped3A : memref<!tpu.dma_semaphore, #tpu.memory_space<semaphore_mem>>) src(%dma_wait3A_32 : memref<640x128xf32, #tpu.memory_space<vmem_shared>>) dst(%dma_wait3A_30 : memref<640x128xf32, #tpu.memory_space<hbm>>)
      tpu.yield
    }) : () -> ()
    return
  }
}

module attributes {stable_mosaic.version = 14 : i64} {
  func.func @_tc1_body(%arg0: i32, %arg1: memref<512x128xf32, #tpu.memory_space<vmem>>, %arg2: memref<128x256xf32, #tpu.memory_space<vmem>>, %arg3: memref<512x2xf32, #tpu.memory_space<vmem>>, %arg4: memref<2x512x128xf32, #tpu.memory_space<vmem>>) attributes {dimension_semantics = [#tpu.dimension_semantics<arbitrary>], iteration_bounds = array<i64: 20>, scalar_prefetch = 0 : i64, scratch_operands = 0 : i64, tpu.core_type = #tpu.core_type<tc>, window_params = [{transform_indices = @transform_0, window_bounds = array<i64: 512, 128>}, {pipeline_mode = #tpu.pipeline_mode<synchronous>, transform_indices = @transform_1, window_bounds = array<i64: 128, 256>}, {transform_indices = @transform_2, window_bounds = array<i64: 512, 2>}, {transform_indices = @transform_3, window_bounds = array<i64: 2, 512, 128>}]} {
    %get3A = arith.constant 0 : index
    %get3A_0 = arith.constant 0 : index
    %get3A_1 = vector.load %arg3[%get3A, %get3A_0] : memref<512x2xf32, #tpu.memory_space<vmem>>, vector<512x1xf32>
    %get3A_2 = arith.constant 0 : index
    %get3A_3 = arith.constant 1 : index
    %get3A_4 = vector.load %arg3[%get3A_2, %get3A_3] : memref<512x2xf32, #tpu.memory_space<vmem>>, vector<512x1xf32>
    %add3A = arith.addf %get3A_1, %get3A_4 : vector<512x1xf32>
    %add3A_5 = arith.constant 1.000000e+00 : f32
    %add3A_6 = vector.broadcast %add3A_5 : f32 to vector<512x1xf32>
    %add3A_7 = arith.addf %add3A, %add3A_6 : vector<512x1xf32>
    %rsqrt3A = math.rsqrt %add3A_7 : vector<512x1xf32>
    %get3A_8 = arith.constant 0 : index
    %get3A_9 = arith.constant 0 : index
    %get3A_10 = vector.load %arg1[%get3A_8, %get3A_9] : memref<512x128xf32, #tpu.memory_space<vmem>>, vector<512x128xf32>
    %get3A_11 = arith.constant 0 : index
    %get3A_12 = arith.constant 0 : index
    %get3A_13 = vector.load %arg2[%get3A_11, %get3A_12] : memref<128x256xf32, #tpu.memory_space<vmem>>, vector<128x256xf32>
    %dot_general3A = arith.constant dense<0.000000e+00> : vector<512x256xf32>
    %dot_general3A_14 = tpu.matmul %get3A_10, %get3A_13, %dot_general3A {dimension_numbers = #tpu.dot_dimension_numbers<[1], [0], [0], [1], [0, 0, 1, 1], [], []>, transpose_lhs_hint = false} : vector<512x128xf32>, vector<128x256xf32>, vector<512x256xf32> -> vector<512x256xf32>
    %mul3A = vector.broadcast %rsqrt3A : vector<512x1xf32> to vector<512x256xf32>
    %mul3A_15 = arith.mulf %dot_general3A_14, %mul3A : vector<512x256xf32>
    %slice3A = vector.extract_strided_slice %mul3A_15 {offsets = [0, 0], sizes = [512, 128], strides = [1, 1]} : vector<512x256xf32> to vector<512x128xf32>
    %swap3A = arith.constant 0 : index
    %swap3A_16 = arith.constant 0 : index
    %swap3A_17 = arith.constant 0 : index
    %swap3A_18 = vector.load %arg4[%swap3A, %swap3A_16, %swap3A_17] : memref<2x512x128xf32, #tpu.memory_space<vmem>>, vector<1x512x128xf32>
    %swap3A_19 = vector.shape_cast %swap3A_18 : vector<1x512x128xf32> to vector<512x128xf32>
    %swap3A_20 = vector.shape_cast %slice3A : vector<512x128xf32> to vector<1x512x128xf32>
    tpu.vector_store %arg4[%swap3A, %swap3A_16, %swap3A_17], %swap3A_20 {strides = array<i32>} : memref<2x512x128xf32, #tpu.memory_space<vmem>>, vector<1x512x128xf32>,
    %slice3A_21 = vector.extract_strided_slice %mul3A_15 {offsets = [0, 128], sizes = [512, 128], strides = [1, 1]} : vector<512x256xf32> to vector<512x128xf32>
    %swap3A_22 = arith.constant 1 : index
    %swap3A_23 = arith.constant 0 : index
    %swap3A_24 = arith.constant 0 : index
    %swap3A_25 = vector.load %arg4[%swap3A_22, %swap3A_23, %swap3A_24] : memref<2x512x128xf32, #tpu.memory_space<vmem>>, vector<1x512x128xf32>
    %swap3A_26 = vector.shape_cast %swap3A_25 : vector<1x512x128xf32> to vector<512x128xf32>
    %swap3A_27 = vector.shape_cast %slice3A_21 : vector<512x128xf32> to vector<1x512x128xf32>
    tpu.vector_store %arg4[%swap3A_22, %swap3A_23, %swap3A_24], %swap3A_27 {strides = array<i32>} : memref<2x512x128xf32, #tpu.memory_space<vmem>>, vector<1x512x128xf32>,
    return
  }
  func.func @transform_0(%arg0: i32) -> (i32, i32) {
    %c0_i32 = arith.constant 0 : i32
    %c0_i32_0 = arith.constant 0 : i32
    return %arg0, %c0_i32 : i32, i32
  }
  func.func @transform_1(%arg0: i32) -> (i32, i32) {
    %c0_i32 = arith.constant 0 : i32
    %c0_i32_0 = arith.constant 0 : i32
    %c0_i32_1 = arith.constant 0 : i32
    return %c0_i32, %c0_i32_0 : i32, i32
  }
  func.func @transform_2(%arg0: i32) -> (i32, i32) {
    %c0_i32 = arith.constant 0 : i32
    %c0_i32_0 = arith.constant 0 : i32
    return %arg0, %c0_i32 : i32, i32
  }
  func.func @transform_3(%arg0: i32) -> (i32, i32, i32) {
    %c0_i32 = arith.constant 0 : i32
    %c0_i32_0 = arith.constant 0 : i32
    %c0_i32_1 = arith.constant 0 : i32
    return %c0_i32, %arg0, %c0_i32_0 : i32, i32, i32
  }
}

module attributes {stable_mosaic.version = 14 : i64} {
  func.func @_tc2_body(%arg0: i32, %arg1: memref<2x512x128xf32, #tpu.memory_space<vmem>>, %arg2: memref<2x512x128xf32, #tpu.memory_space<vmem>>, %arg3: memref<512x2xf32, #tpu.memory_space<vmem>>, %arg4: memref<1x256xf32, #tpu.memory_space<vmem>>, %arg5: memref<256x128xf32, #tpu.memory_space<vmem>>, %arg6: memref<2x512x128xf32, #tpu.memory_space<vmem>>) attributes {dimension_semantics = [#tpu.dimension_semantics<arbitrary>], iteration_bounds = array<i64: 20>, scalar_prefetch = 0 : i64, scratch_operands = 0 : i64, tpu.core_type = #tpu.core_type<tc>, window_params = [{transform_indices = @transform_0, window_bounds = array<i64: 2, 512, 128>}, {transform_indices = @transform_1, window_bounds = array<i64: 2, 512, 128>}, {transform_indices = @transform_2, window_bounds = array<i64: 512, 2>}, {pipeline_mode = #tpu.pipeline_mode<synchronous>, transform_indices = @transform_3, window_bounds = array<i64: 1, 256>}, {pipeline_mode = #tpu.pipeline_mode<synchronous>, transform_indices = @transform_4, window_bounds = array<i64: 256, 128>}, {transform_indices = @transform_5, window_bounds = array<i64: 2, 512, 128>}]} {
    %get3A = arith.constant 0 : index
    %get3A_0 = arith.constant 0 : index
    %get3A_1 = vector.load %arg3[%get3A, %get3A_0] : memref<512x2xf32, #tpu.memory_space<vmem>>, vector<512x1xf32>
    %get3A_2 = arith.constant 0 : index
    %get3A_3 = arith.constant 1 : index
    %get3A_4 = vector.load %arg3[%get3A_2, %get3A_3] : memref<512x2xf32, #tpu.memory_space<vmem>>, vector<512x1xf32>
    %add3A = arith.addf %get3A_1, %get3A_4 : vector<512x1xf32>
    %add3A_5 = arith.constant 1.000000e+00 : f32
    %add3A_6 = vector.broadcast %add3A_5 : f32 to vector<512x1xf32>
    %add3A_7 = arith.addf %add3A, %add3A_6 : vector<512x1xf32>
    %rsqrt3A = math.rsqrt %add3A_7 : vector<512x1xf32>
    %get3A_8 = arith.constant 1 : index
    %get3A_9 = arith.constant 0 : index
    %get3A_10 = arith.constant 0 : index
    %get3A_11 = vector.load %arg1[%get3A_8, %get3A_9, %get3A_10] : memref<2x512x128xf32, #tpu.memory_space<vmem>>, vector<1x512x128xf32>
    %get3A_12 = vector.shape_cast %get3A_11 : vector<1x512x128xf32> to vector<512x128xf32>
    %get3A_13 = arith.constant 0 : index
    %get3A_14 = arith.constant 0 : index
    %get3A_15 = arith.constant 0 : index
    %get3A_16 = vector.load %arg2[%get3A_13, %get3A_14, %get3A_15] : memref<2x512x128xf32, #tpu.memory_space<vmem>>, vector<1x512x128xf32>
    %get3A_17 = vector.shape_cast %get3A_16 : vector<1x512x128xf32> to vector<512x128xf32>
    %add3A_18 = arith.addf %get3A_12, %get3A_17 : vector<512x128xf32>
    %get3A_19 = arith.constant 0 : index
    %get3A_20 = arith.constant 0 : index
    %get3A_21 = arith.constant 0 : index
    %get3A_22 = vector.load %arg1[%get3A_19, %get3A_20, %get3A_21] : memref<2x512x128xf32, #tpu.memory_space<vmem>>, vector<1x512x128xf32>
    %get3A_23 = vector.shape_cast %get3A_22 : vector<1x512x128xf32> to vector<512x128xf32>
    %get3A_24 = arith.constant 1 : index
    %get3A_25 = arith.constant 0 : index
    %get3A_26 = arith.constant 0 : index
    %get3A_27 = vector.load %arg2[%get3A_24, %get3A_25, %get3A_26] : memref<2x512x128xf32, #tpu.memory_space<vmem>>, vector<1x512x128xf32>
    %get3A_28 = vector.shape_cast %get3A_27 : vector<1x512x128xf32> to vector<512x128xf32>
    %add3A_29 = arith.addf %get3A_23, %get3A_28 : vector<512x128xf32>
    %concatenate3A = tpu.concatenate %add3A_18, %add3A_29 in 1 : vector<512x128xf32>, vector<512x128xf32> -> vector<512x256xf32>
    %mul3A = vector.broadcast %rsqrt3A : vector<512x1xf32> to vector<512x256xf32>
    %mul3A_30 = arith.mulf %mul3A, %concatenate3A : vector<512x256xf32>
    %get3A_31 = arith.constant 0 : index
    %get3A_32 = arith.constant 0 : index
    %get3A_33 = vector.load %arg4[%get3A_31, %get3A_32] : memref<1x256xf32, #tpu.memory_space<vmem>>, vector<1x256xf32>
    %add3A_34 = vector.broadcast %get3A_33 : vector<1x256xf32> to vector<512x256xf32>
    %add3A_35 = arith.addf %mul3A_30, %add3A_34 : vector<512x256xf32>
    %max3A = arith.constant 0.000000e+00 : f32
    %max3A_36 = vector.broadcast %max3A : f32 to vector<512x256xf32>
    %max3A_37 = arith.maximumf %add3A_35, %max3A_36 : vector<512x256xf32>
    %get3A_38 = arith.constant 0 : index
    %get3A_39 = arith.constant 0 : index
    %get3A_40 = vector.load %arg5[%get3A_38, %get3A_39] : memref<256x128xf32, #tpu.memory_space<vmem>>, vector<256x128xf32>
    %dot_general3A = arith.constant dense<0.000000e+00> : vector<512x128xf32>
    %dot_general3A_41 = tpu.matmul %max3A_37, %get3A_40, %dot_general3A {dimension_numbers = #tpu.dot_dimension_numbers<[1], [0], [0], [1], [0, 0, 1, 1], [], []>, transpose_lhs_hint = false} : vector<512x256xf32>, vector<256x128xf32>, vector<512x128xf32> -> vector<512x128xf32>
    %mul3A_42 = vector.broadcast %rsqrt3A : vector<512x1xf32> to vector<512x128xf32>
    %mul3A_43 = arith.mulf %dot_general3A_41, %mul3A_42 : vector<512x128xf32>
    %swap3A = arith.constant 0 : index
    %swap3A_44 = arith.constant 0 : index
    %swap3A_45 = arith.constant 0 : index
    %swap3A_46 = vector.load %arg6[%swap3A, %swap3A_44, %swap3A_45] : memref<2x512x128xf32, #tpu.memory_space<vmem>>, vector<1x512x128xf32>
    %swap3A_47 = vector.shape_cast %swap3A_46 : vector<1x512x128xf32> to vector<512x128xf32>
    %swap3A_48 = vector.shape_cast %mul3A_43 : vector<512x128xf32> to vector<1x512x128xf32>
    tpu.vector_store %arg6[%swap3A, %swap3A_44, %swap3A_45], %swap3A_48 {strides = array<i32>} : memref<2x512x128xf32, #tpu.memory_space<vmem>>, vector<1x512x128xf32>,
    %swap3A_49 = arith.constant 1 : index
    %swap3A_50 = arith.constant 0 : index
    %swap3A_51 = arith.constant 0 : index
    %swap3A_52 = vector.load %arg6[%swap3A_49, %swap3A_50, %swap3A_51] : memref<2x512x128xf32, #tpu.memory_space<vmem>>, vector<1x512x128xf32>
    %swap3A_53 = vector.shape_cast %swap3A_52 : vector<1x512x128xf32> to vector<512x128xf32>
    %swap3A_54 = vector.shape_cast %mul3A_43 : vector<512x128xf32> to vector<1x512x128xf32>
    tpu.vector_store %arg6[%swap3A_49, %swap3A_50, %swap3A_51], %swap3A_54 {strides = array<i32>} : memref<2x512x128xf32, #tpu.memory_space<vmem>>, vector<1x512x128xf32>,
    return
  }
  func.func @transform_0(%arg0: i32) -> (i32, i32, i32) {
    %c0_i32 = arith.constant 0 : i32
    %c0_i32_0 = arith.constant 0 : i32
    %c0_i32_1 = arith.constant 0 : i32
    return %c0_i32, %arg0, %c0_i32_0 : i32, i32, i32
  }
  func.func @transform_1(%arg0: i32) -> (i32, i32, i32) {
    %c0_i32 = arith.constant 0 : i32
    %c0_i32_0 = arith.constant 0 : i32
    %c0_i32_1 = arith.constant 0 : i32
    return %c0_i32, %arg0, %c0_i32_0 : i32, i32, i32
  }
  func.func @transform_2(%arg0: i32) -> (i32, i32) {
    %c0_i32 = arith.constant 0 : i32
    %c0_i32_0 = arith.constant 0 : i32
    return %arg0, %c0_i32 : i32, i32
  }
  func.func @transform_3(%arg0: i32) -> (i32, i32) {
    %c0_i32 = arith.constant 0 : i32
    %c0_i32_0 = arith.constant 0 : i32
    %c0_i32_1 = arith.constant 0 : i32
    return %c0_i32, %c0_i32_0 : i32, i32
  }
  func.func @transform_4(%arg0: i32) -> (i32, i32) {
    %c0_i32 = arith.constant 0 : i32
    %c0_i32_0 = arith.constant 0 : i32
    %c0_i32_1 = arith.constant 0 : i32
    return %c0_i32, %c0_i32_0 : i32, i32
  }
  func.func @transform_5(%arg0: i32) -> (i32, i32, i32) {
    %c0_i32 = arith.constant 0 : i32
    %c0_i32_0 = arith.constant 0 : i32
    %c0_i32_1 = arith.constant 0 : i32
    return %c0_i32, %arg0, %c0_i32_0 : i32, i32, i32
  }
}

module attributes {stable_mosaic.version = 14 : i64} {
  func.func @_tc3_body(%arg0: i32, %arg1: memref<2x512x128xf32, #tpu.memory_space<vmem>>, %arg2: memref<512x128xf32, #tpu.memory_space<vmem>>, %arg3: memref<512x2xf32, #tpu.memory_space<vmem>>, %arg4: memref<1x128xf32, #tpu.memory_space<vmem>>, %arg5: memref<512x128xf32, #tpu.memory_space<vmem>>) attributes {dimension_semantics = [#tpu.dimension_semantics<arbitrary>], iteration_bounds = array<i64: 20>, scalar_prefetch = 0 : i64, scratch_operands = 0 : i64, tpu.core_type = #tpu.core_type<tc>, window_params = [{transform_indices = @transform_0, window_bounds = array<i64: 2, 512, 128>}, {transform_indices = @transform_1, window_bounds = array<i64: 512, 128>}, {transform_indices = @transform_2, window_bounds = array<i64: 512, 2>}, {pipeline_mode = #tpu.pipeline_mode<synchronous>, transform_indices = @transform_3, window_bounds = array<i64: 1, 128>}, {transform_indices = @transform_4, window_bounds = array<i64: 512, 128>}]} {
    %get3A = arith.constant 0 : index
    %get3A_0 = arith.constant 0 : index
    %get3A_1 = vector.load %arg3[%get3A, %get3A_0] : memref<512x2xf32, #tpu.memory_space<vmem>>, vector<512x1xf32>
    %get3A_2 = arith.constant 0 : index
    %get3A_3 = arith.constant 1 : index
    %get3A_4 = vector.load %arg3[%get3A_2, %get3A_3] : memref<512x2xf32, #tpu.memory_space<vmem>>, vector<512x1xf32>
    %add3A = arith.addf %get3A_1, %get3A_4 : vector<512x1xf32>
    %add3A_5 = arith.constant 1.000000e+00 : f32
    %add3A_6 = vector.broadcast %add3A_5 : f32 to vector<512x1xf32>
    %add3A_7 = arith.addf %add3A, %add3A_6 : vector<512x1xf32>
    %rsqrt3A = math.rsqrt %add3A_7 : vector<512x1xf32>
    %get3A_8 = arith.constant 0 : index
    %get3A_9 = arith.constant 0 : index
    %get3A_10 = arith.constant 0 : index
    %get3A_11 = vector.load %arg1[%get3A_8, %get3A_9, %get3A_10] : memref<2x512x128xf32, #tpu.memory_space<vmem>>, vector<1x512x128xf32>
    %get3A_12 = vector.shape_cast %get3A_11 : vector<1x512x128xf32> to vector<512x128xf32>
    %get3A_13 = arith.constant 1 : index
    %get3A_14 = arith.constant 0 : index
    %get3A_15 = arith.constant 0 : index
    %get3A_16 = vector.load %arg1[%get3A_13, %get3A_14, %get3A_15] : memref<2x512x128xf32, #tpu.memory_space<vmem>>, vector<1x512x128xf32>
    %get3A_17 = vector.shape_cast %get3A_16 : vector<1x512x128xf32> to vector<512x128xf32>
    %add3A_18 = arith.addf %get3A_12, %get3A_17 : vector<512x128xf32>
    %get3A_19 = arith.constant 0 : index
    %get3A_20 = arith.constant 0 : index
    %get3A_21 = vector.load %arg2[%get3A_19, %get3A_20] : memref<512x128xf32, #tpu.memory_space<vmem>>, vector<512x128xf32>
    %add3A_22 = arith.addf %add3A_18, %get3A_21 : vector<512x128xf32>
    %mul3A = vector.broadcast %rsqrt3A : vector<512x1xf32> to vector<512x128xf32>
    %mul3A_23 = arith.mulf %mul3A, %add3A_22 : vector<512x128xf32>
    %get3A_24 = arith.constant 0 : index
    %get3A_25 = arith.constant 0 : index
    %get3A_26 = vector.load %arg4[%get3A_24, %get3A_25] : memref<1x128xf32, #tpu.memory_space<vmem>>, vector<1x128xf32>
    %add3A_27 = vector.broadcast %get3A_26 : vector<1x128xf32> to vector<512x128xf32>
    %add3A_28 = arith.addf %mul3A_23, %add3A_27 : vector<512x128xf32>
    %swap3A = arith.constant 0 : index
    %swap3A_29 = arith.constant 0 : index
    %swap3A_30 = vector.load %arg5[%swap3A, %swap3A_29] : memref<512x128xf32, #tpu.memory_space<vmem>>, vector<512x128xf32>
    tpu.vector_store %arg5[%swap3A, %swap3A_29], %add3A_28 {strides = array<i32>} : memref<512x128xf32, #tpu.memory_space<vmem>>, vector<512x128xf32>,
    return
  }
  func.func @transform_0(%arg0: i32) -> (i32, i32, i32) {
    %c0_i32 = arith.constant 0 : i32
    %c0_i32_0 = arith.constant 0 : i32
    %c0_i32_1 = arith.constant 0 : i32
    return %c0_i32, %arg0, %c0_i32_0 : i32, i32, i32
  }
  func.func @transform_1(%arg0: i32) -> (i32, i32) {
    %c0_i32 = arith.constant 0 : i32
    %c0_i32_0 = arith.constant 0 : i32
    return %arg0, %c0_i32 : i32, i32
  }
  func.func @transform_2(%arg0: i32) -> (i32, i32) {
    %c0_i32 = arith.constant 0 : i32
    %c0_i32_0 = arith.constant 0 : i32
    return %arg0, %c0_i32 : i32, i32
  }
  func.func @transform_3(%arg0: i32) -> (i32, i32) {
    %c0_i32 = arith.constant 0 : i32
    %c0_i32_0 = arith.constant 0 : i32
    %c0_i32_1 = arith.constant 0 : i32
    return %c0_i32, %c0_i32_0 : i32, i32
  }
  func.func @transform_4(%arg0: i32) -> (i32, i32) {
    %c0_i32 = arith.constant 0 : i32
    %c0_i32_0 = arith.constant 0 : i32
    return %arg0, %c0_i32 : i32, i32
  }
}

</mosaic_0001>

<sc_bundles>
// kernel: kernel.11.cloned.1.call-start
scs
__scs_entry_jumppad:
0x0: {  	(pc) =	sbr.rel $0x88, $3  }
0x1: {  	(tag) =	ssettag $0x0;
	lr =	simm.s32 $0x1  }
0x2: {  	[smem:$0x3F9B] =	sst lr;
	_ =	strace $0xD0000000  }
0x3: {  	_ = 	snop  }
0x4: {  	_ = 	snop  }
0x5: {  	_ = 	snop  }
0x6: {  	_ = 	snop  }
0x7: {  	_ = 	snop  }
__scs_overlays_trampoline_lowered:
0x8: {  	[smem:$0x3FAA] =	sst s0  }
0x9: {  	[smem:$0x3FAB] =	sst s1  }
0xa: {  	[smem:$0x3FAC] =	sst s2  }
0xb: {  	[smem:$0x3FAD] =	sst s3  }
0xc: {  	[smem:$0x3FAE] =	sst s4  }
0xd: {  	[smem:$0x3FAF] =	sst s5  }
0xe: {  	[smem:$0x3FB0] =	sst s6  }
0xf: {  	[smem:$0x3FB1] =	sst s7  }
0x10: {  	[smem:$0x3FB2] =	sst s8  }
0x11: {  	[smem:$0x3FB3] =	sst s9;
	s0 =	simm.s32 @!p0 $0x0  }
0x12: {  	s1 =	sld [smem:$0x3F99];
	s0 =	simm.s32 @p0 $0x1  }
0x13: {  	[smem:$0x3FB4] =	sst s0;
	s0 =	simm.s32 @!p1 $0x0  }
0x14: {  	s2 =	sld [smem:$0x3F98];
	s0 =	simm.s32 @p1 $0x1  }
0x15: {  	[smem:$0x3FB5] =	sst s0;
	s0 =	simm.s32 @!p2 $0x0  }
0x16: {  	s3 =	sld [smem:$0x3FDB];
	s0 =	simm.s32 @p2 $0x1  }
0x17: {  	s4 =	simm.s32 $0x1BF5;
	[smem:$0x3FB7] =	sst s0  }
0x18: {  	s0 =	sld [smem:$0x3F9A];
	_ =	swait.ge [sflag:s4], $0x0  }
0x19: {  	s7 =	sld [smem:$0x3F9B]  }
0x1a: {  	s8 =	sadd.s32 $0xFFFFE003, lr  }
0x1b: {  	s9 =	sadd.s32 $0xFFFFFEF7, lr;
	s5 =	simm.s32 $0xFFFFFFFF;
	p2 =	slt.u32 s8, $0xFFFFF086  }
0x1c: {  	p1 =	slt.u32 s9, $0xF7A;
	s5 =	simm.s32 @!p2 $0x0  }
0x1d: {  	s5 =	simm.s32 @p1 $0x1;
	p0 =	seq.s32 s7, s2  }
0x1e: {  	s7 =	smul.u32 @!p0 $0xF7A, s2;
	p2 =	seq.s32 @!p0 s5, $0x0  }
0x1f: {  	s9 =	smul.u32 $0xF7A, s1;
	s8 =	simm.s32 @!p0 $0x1BF5;
	p2 =	por !p2, p0  }
0x20: {  	[sflag:s8] =	ssyncset.s32 @!p0 $0xFFFFF086;
	s6 =	sadd.s32 @!p0 s3, s7;
	s7 =	simm.s32 @!p0 $0x108  }
0x21: {  	s3 =	sadd.s32 s3, s9;
	s6 =	sadd.s32 @!p0 $0x88, s6;
	s7 =	simm.s32 @p2 $0x1082  }
0x22: {  	[simem:s7], [sflag:s8] =	dma.local @!p0 [hbm:s6], $0xF7A  }
0x23: {  	s9 =	sor.u32 $0xD0000000, s2;
	s6 =	simm.s32 $0x108;
	_ =	swait.ge @!p0 [sflag:s8], $0x0  }
0x24: {  	s3 =	sadd.s32 $0x88, s3;
	s6 =	simm.s32 @!p1 $0x1082;
	[sflag:s4] =	ssyncset.s32 $0xFFFFF086  }
0x25: {  	[simem:s6], [sflag:s4] =	dma.local [hbm:s3], $0xF7A  }
0x26: {  	[smem:$0x3F9B] =	sst s1;
	(tag) =	ssettag s2;
	_ =	strace s9  }
0x27: {  	s1 =	sld [smem:$0x3FAB]  }
0x28: {  	s2 =	sld [smem:$0x3FAC]  }
0x29: {  	s4 =	sld [smem:$0x3FAE]  }
0x2a: {  	p0 =	seq.s32 s5, $0x0;
	s5 =	sld [smem:$0x3FAF]  }
0x2b: {  	s6 =	sld [smem:$0x3FB0]  }
0x2c: {  	s7 =	sld [smem:$0x3FB1]  }
0x2d: {  	s3 =	simm.s32 $0x108;
	s8 =	sld [smem:$0x3FB2]  }
0x2e: {  	s3 =	simm.s32 @!p0 $0x1082;
	s9 =	sld [smem:$0x3FB3]  }
0x2f: {  	lr =	sadd.s32 s0, s3;
	s0 =	sld [smem:$0x3FAA]  }
0x30: {  	s3 =	sld [smem:$0x3FAD]  }
0x31: {  	[smem:$0x3FB6] =	sst s10  }
0x32: {  	s10 =	sld [smem:$0x3FB4];
	_ =	sdelay $0x3  }
0x33: {  	p0 =	seq.s32 s10, $0x1;
	s10 =	sld [smem:$0x3FB6];
	_ =	sdelay $0x3  }
0x34: {  	[smem:$0x3FB6] =	sst s10  }
0x35: {  	s10 =	sld [smem:$0x3FB5];
	_ =	sdelay $0x3  }
0x36: {  	p1 =	seq.s32 s10, $0x1;
	s10 =	sld [smem:$0x3FB6];
	_ =	sdelay $0x3  }
0x37: {  	[smem:$0x3FB6] =	sst s10  }
0x38: {  	s10 =	sld [smem:$0x3FB7]  }
0x39: {  	_ = 	snop;
	(pc) =	sbr.ind lr, $3  }
0x3a: {  	_ = 	snop  }
0x3b: {  	_ = 	snop  }
0x3c: {  	p2 =	seq.s32 s10, $0x1;
	s10 =	sld [smem:$0x3FB6]  }
0x3d: {  	_ =	shalt  }
0x3e: {  	_ =	shalt  }
0x3f: {  	_ =	shalt  }
0x40: {  	_ =	shalt  }
0x41: {  	_ =	shalt  }
0x42: {  	_ =	shalt  }
0x43: {  	_ =	shalt  }
0x44: {  	_ =	shalt  }
0x45: {  	_ =	shalt  }
0x46: {  	_ =	shalt  }
0x47: {  	_ =	shalt  }
0x48: {  	_ =	shalt  }
0x49: {  	_ =	shalt  }
0x4a: {  	_ =	shalt  }
0x4b: {  	_ =	shalt  }
0x4c: {  	_ =	shalt  }
0x4d: {  	_ =	shalt  }
0x4e: {  	_ =	shalt  }
0x4f: {  	_ =	shalt  }
0x50: {  	_ =	shalt  }
0x51: {  	_ =	shalt  }
0x52: {  	_ =	shalt  }
0x53: {  	_ =	shalt  }
0x54: {  	_ =	shalt  }
0x55: {  	_ =	shalt  }
0x56: {  	_ =	shalt  }
0x57: {  	_ =	shalt  }
0x58: {  	_ =	shalt  }
0x59: {  	_ =	shalt  }
0x5a: {  	_ =	shalt  }
0x5b: {  	_ =	shalt  }
0x5c: {  	_ =	shalt  }
0x5d: {  	_ =	shalt  }
0x5e: {  	_ =	shalt  }
0x5f: {  	_ =	shalt  }
0x60: {  	_ =	shalt  }
0x61: {  	_ =	shalt  }
0x62: {  	_ =	shalt  }
0x63: {  	_ =	shalt  }
0x64: {  	_ =	shalt  }
0x65: {  	_ =	shalt  }
0x66: {  	_ =	shalt  }
0x67: {  	_ =	shalt  }
0x68: {  	_ =	shalt  }
0x69: {  	_ =	shalt  }
0x6a: {  	_ =	shalt  }
0x6b: {  	_ =	shalt  }
0x6c: {  	_ =	shalt  }
0x6d: {  	_ =	shalt  }
0x6e: {  	_ =	shalt  }
0x6f: {  	_ =	shalt  }
0x70: {  	_ =	shalt  }
0x71: {  	_ =	shalt  }
0x72: {  	_ =	shalt  }
0x73: {  	_ =	shalt  }
0x74: {  	_ =	shalt  }
0x75: {  	_ =	shalt  }
0x76: {  	_ =	shalt  }
0x77: {  	_ =	shalt  }
0x78: {  	_ =	shalt  }
0x79: {  	_ =	shalt  }
0x7a: {  	_ =	shalt  }
0x7b: {  	_ =	shalt  }
0x7c: {  	_ =	shalt  }
0x7d: {  	_ =	shalt  }
0x7e: {  	_ =	shalt  }
0x7f: {  	_ =	shalt  }
0x80: {  	_ =	shalt  }
0x81: {  	_ =	shalt  }
0x82: {  	_ =	shalt  }
0x83: {  	_ =	shalt  }
0x84: {  	_ =	shalt  }
0x85: {  	_ =	shalt  }
0x86: {  	_ =	shalt  }
0x87: {  	_ =	shalt  }
.Lfunc_end0:
.L_simem_size_0:
called_computation.1_lowered:
.L_overlay_start_0:
0x88: {  	s2 =	sld [smem:$0x3FD9]  }
0x89: {  	s3 =	sld [smem:$0x3FFE];
	_ =	sdelay $0x1  }
0x8a: {  	s1 =	srdreg.scid  }
0x8b: {  	s0 =	sand.u32 $0x1, s1  }
0x8c: {  	s17 =	sshll.u32 s0, $0xA;
	s2 =	sadd.s32 s3, s2  }
0x8d: {  	s2 =	sadd.s32 s2, s17  }
0x8e: {  	[smem:$0x3FC2] =	sst s2  }
0x8f: {  	_ = 	snop  }
0x90: {  	s2 =	sld [smem:$0x3FD0];
	(tm) =	ssettm $0x1  }
0x91: {  	s18 =	sld [smem:$0x3FFB];
	_ =	sdelay $0x3  }
0x92: {  	_ =	strace s18  }
0x93: {  	s3 =	sld [smem:$0x3FFC];
	_ =	sdelay $0x3  }
0x94: {  	_ =	strace s3  }
0x95: {  	s3 =	sld [smem:$0x3FFD];
	_ =	sdelay $0x3  }
0x96: {  	_ =	strace s3  }
0x97: {  	_ =	strace $0x8FFFFFFF  }
0x98: {  	s19 =	sld [smem:$0x3FDB];
	_ =	sdelay $0x1  }
0x99: {  	s4 =	simm.s32 $_scs_section_size  }
0x9a: {  	s5 =	simm.s32 $_size__tile_overlayer_lowered;
	s6 =	simm.s32 $_tile_overlayer_lowered  }
0x9b: {  	s22 =	simm.s32 $0x1BFF;
	s21 =	sshll.u32 s6, $0x1;
	s3 =	sadd.s32 s4, s19  }
0x9c: {  	s7 =	simm.s32 $0x0;
	s20 =	sshll.u32 s5, $0x1;
	s5 =	sadd.s32 s21, s3  }
0x9d: {  	[timem:s7], [sflag:s22] =	dma.local [hbm:s5], s20  }
0x9e: {  	_ =	swait.ge [sflag:s22], s20  }
0x9f: {  	s4 =	ssub.s32 $0x0, s20;
	[sflag:s22] =	ssyncset.done $0x0  }
0xa0: {  	[sflag:s22] =	ssyncadd.s32 s4;
	_ =	sdelay $0x1  }
0xa1: {  	s23 =	simm.s32 $0x1B8B  }
0xa2: {  	_ =	swait.ge [sflag:s23], $0x1  }
0xa3: {  	[sflag:s23] =	ssyncset.done $0x0  }
0xa4: {  	s25 =	simm.s32 $0x1B8E;
	s24 =	sld [smem:$0x3FFE];
	[sflag:s23] =	ssyncadd.s32 $0xFFFFFFFF  }
0xa5: {  	s26 =	simm.s32 $execute0_lowered;
	[smem:$0x3FD2] =	sst s25  }
0xa6: {  	s5 =	sshll.u32 s26, $0x1;
	_ =	strace $0x80000049;
	[dreg:$0x1] =	wrdreg $0xFFFFFFFF  }
0xa7: {  	s28 =	simm.s32 $_size_execute0_lowered;
	s3 =	sadd.s32 s3, s5;
	[dreg:$0x0] =	wrdreg $0x0  }
0xa8: {  	s5 =	sshll.u32 s28, $0x1;
	[dreg:$0x2] =	wrdreg s3  }
0xa9: {  	[dreg:$0x3] =	wrdreg s5  }
0xaa: {  	[dreg:$0x4] =	wrdreg $0xC0  }
0xab: {  	_ =	task [dreg:s7], $0x5FFFF  }
0xac: {  	[dreg:$0x1] =	wrdreg $0xFFFFFFFF  }
0xad: {  	[dreg:$0x0] =	wrdreg $0x60  }
0xae: {  	[dreg:$0x2] =	wrdreg s24  }
0xaf: {  	[dreg:$0x3] =	wrdreg s2  }
0xb0: {  	[dreg:$0x4] =	wrdreg $0x0  }
0xb1: {  	[dreg:$0x5] =	wrdreg $0x9  }
0xb2: {  	_ =	task.clear_ibuf [dreg:s7], $0x6FFFF;
	_ =	strace $0x90000049  }
0xb3: {  	s29 =	simm.s32 $0x9;
	_ =	strace $0x8000004B  }
0xb4: {  	_ =	swait.ge [sflag:s29], $0x1  }
0xb5: {  	[sflag:s29] =	ssyncadd.s32 $0xFFFFFFFF  }
0xb6: {  	_ =	strace $0x9000004B  }
0xb7: {  	_ =	sfence  }
0xb8: {  	s30 =	sld [smem:$0x0];
	_ =	sdelay $0x2  }
0xb9: {  	s31 =	sshll.u32 s1, $0xD;
	s1 =	sshrl.u32 s1, $0x2  }
0xba: {  	s3 =	sand.u32 $0x4000, s31;
	s1 =	sadd.s32 s1, s30  }
0xbb: {  	s0 =	sor.u32 s3, s0;
	s1 =	sshll.u32 s1, $0x11  }
0xbc: {  	s0 =	sor.u32 s1, s0  }
0xbd: {  	s0 =	sadd.s32 $0x8F2B, s0  }
0xbe: {  	[sflag:s0] =	ssyncadd.remote.s32 $0x1  }
0xbf: {  	_ =	sfence.sel $0xFFFF  }
0xc0: {  	[dreg:$0x0] =	wrdreg $0xFFFFFFFF;
	(pc) =	sbr.abs _section_cstart, $3  }
0xc1: {  	[dreg:$0x1] =	wrdreg $0xFFFFFFFF  }
0xc2: {  	_ =	task.clear_ibuf [dreg:s7], $0x2FFFF;
	_ =	strace $0x9FFFFFFF  }
0xc3: {  	(tm) =	ssettm $0x7FFFFFFF  }
tec
execute0_lowered:
.L_overlay_start_1:
0x0: {  	(tag) =	ssettag $0x1  }
0x1: {  	s8 =	rddreg [dreg:$0x0]  }
0x2: {  	s1 =	rddreg [dreg:$0x1]  }
0x3: {  	s2 =	rddreg [dreg:$0x2]  }
0x4: {  	s3 =	srdreg.scid;
	s0 =	rddreg [dreg:$0x3]  }
0x5: {  	s4 =	simm.s32 $0x0;
	s16 =	simm.s32 $0x15000;
	s17 =	simm.s32 $0x80  }
0x6: {  	s18 =	simm.s32 $0x16000;
	s19 =	simm.s32 $0x14080;
	s20 =	simm.s32 $0x1A000  }
0x7: {  	s21 =	simm.s32 $0x1;
	s22 =	simm.s32 $0x2;
	s23 =	simm.s32 $0x3  }
0x8: {  	s24 =	simm.s32 $0x4;
	s25 =	simm.s32 $0x15F00;
	s10 =	sand.u32 $0x1, s3  }
0x9: {  	s26 =	simm.s32 $0x15F80;
	s3 =	stileid.u32;
	s7 =	smul.u32 $0x140000, s10  }
0xa: {  	[smem:$0x7FF] =	sst s4;
	s5 =	sadd.s32 $0xB600, s8;
	s9 =	smul.u32 $0x14000, s3  }
0xb: {  	s6 =	sadd.s32 $0x1600, s8;
	_ =	strace $0x8000004A;
	s12 =	smul.u32 $0x50000, s3  }
0xc: {  	s11 =	ssub.s32 $0x2, s10;
	s31 =	sshll.u32 s3, $0x6;
	s10 =	smul.u32 $0x50000, s10  }
0xd: {  	s13 =	sshrl.u32 s11, $0x1;
	s9 =	sadd.s32 s9, s7;
	s7 =	sadd.s32 $0x5B600, s8  }
0xe: {  	s13 =	ssub.s32 s11, s13;
	s30 =	sshrl.u32 s12, $0x2;
	s9 =	sshrl.u32 s9, $0x3  }
0xf: {  	s15 =	sadd.s32 s30, s2;
	s12 =	smax.u32 s13, $0x1;
	s14 =	sadd.s32 s9, s8  }
0x10: {  	s8 =	smul.u32 $0x5000, s3;
	s9 =	sor.u32 $0x1C05, s31;
	s13 =	sshrl.u32 s15, $0x3  }
0x11: {  	s15 =	simm.s32 $0x14000;
	s11 =	sadd.s32 $0x5DE00, s14;
	s14 =	simm.s32 $0x5  }
.LBB2_1:
0x12: {  	[spmem:s13], [sflag:s9] =	dma.local [hbm:s7], $0x2800  }
0x13: {  	_ =	swait.ge [sflag:s14], $0x2800  }
0x14: {  	[sflag:s14] =	ssyncset.done $0x0  }
0x15: {  	[sflag:s14] =	ssyncadd.s32 $0xFFFFD800  }
0x16: {  	s28 =	simm.s32 $0x0;
	[bflag:$0x0] =	sbarrier.arrive $0xFFFF  }
.LBB2_2:
0x17: {  	s29 =	sshll.u32 s28, $0xC  }
0x18: {  	s29 =	sadd.s32 s8, s29  }
0x19: {  	s30 =	sadd.s32 s10, s29  }
0x1a: {  	s30 =	sshrl.u32 s30, $0x3  }
0x1b: {  	s31 =	simm.s32 $0x0;
	s30 =	sadd.s32 s1, s30  }
0x1c: {  	[tilespmem:s15], [sflag:$0x5] =	stream.linear.gather [hbm4b:s30+s31], $0x1000, $0x38;
	[tilespmem:$0x1E000] =	vst v63  }
0x1d: {  	_ =	swait.ge [sflag:s14], $0x1000  }
0x1e: {  	s29 =	sshrl.u32 s29, $0x3;
	[sflag:s14] =	ssyncset.done $0x0  }
0x1f: {  	s29 =	sadd.s32 s6, s29;
	[sflag:s14] =	ssyncadd.s32 $0xFFFFF000  }
0x20: {  	[tilespmem:s16], [sflag:$0x5] =	stream.linear.gather [hbm4b:s29+s31], $0x1000, $0x38;
	[tilespmem:$0x1E000] =	vst v63  }
0x21: {  	_ =	swait.ge [sflag:s14], $0x1000  }
0x22: {  	[sflag:s14] =	ssyncset.done $0x0  }
0x23: {  	[sflag:s14] =	ssyncadd.s32 $0xFFFFF000  }
0x24: {  	[tilespmem:s18], [sflag:$0x1] =	stream.indirect.gather [hbm4b:s5+s17], $0x80, s15, s17, $0xb8;
	[tilespmem:$0x1E000] =	vst v63  }
0x25: {  	_ = 	snop  }
0x26: {  	[tilespmem:s20], [sflag:$0x2] =	stream.indirect.gather [hbm4b:s5+s17], $0x80, s19, s17, $0xb8;
	[tilespmem:$0x1E000] =	vst v63  }
0x27: {  	_ =	swait.ge [sflag:s21], $0x4000  }
0x28: {  	[sflag:s21] =	ssyncset.done $0x0  }
0x29: {  	s29 =	simm.s32 $0x15000;
	[sflag:s21] =	ssyncadd.s32 $0xFFFFC000  }
0x2a: {  	[spmem:s2] =	stream.indirect.scatter.add.f32 [tilespmem:s18], [sflag:$0x3], $0x80, s29, s17, $0xb8;
	[tilespmem:$0x1E000] =	vst v63  }
0x2b: {  	_ =	swait.ge [sflag:s22], $0x4000  }
0x2c: {  	[sflag:s22] =	ssyncset.done $0x0  }
0x2d: {  	s29 =	simm.s32 $0x15080;
	[sflag:s22] =	ssyncadd.s32 $0xFFFFC000  }
0x2e: {  	[spmem:s2] =	stream.indirect.scatter.add.f32 [tilespmem:s20], [sflag:$0x4], $0x80, s29, s17, $0xb8;
	[tilespmem:$0x1E000] =	vst v63  }
0x2f: {  	_ =	swait.ge [sflag:s23], $0x4000  }
0x30: {  	[sflag:s23] =	ssyncset.done $0x0  }
0x31: {  	s29 =	simm.s32 $0x14100;
	[sflag:s23] =	ssyncadd.s32 $0xFFFFC000  }
0x32: {  	[tilespmem:s18], [sflag:$0x1] =	stream.indirect.gather [hbm4b:s5+s17], $0x80, s29, s17, $0xb8;
	[tilespmem:$0x1E000] =	vst v63  }
0x33: {  	_ =	swait.ge [sflag:s24], $0x4000  }
0x34: {  	[sflag:s24] =	ssyncset.done $0x0  }
0x35: {  	s30 =	simm.s32 $0x14180;
	s29 =	simm.s32 $0x400;
	[sflag:s24] =	ssyncadd.s32 $0xFFFFC000  }
.LBB2_3:
0x36: {  	[tilespmem:s20], [sflag:$0x2] =	stream.indirect.gather [hbm4b:s5+s17], $0x80, s30, s17, $0xb8;
	[tilespmem:$0x1E000] =	vst v63  }
0x37: {  	s30 =	smov.u32 s29  }
0x38: {  	p0 =	sne.s32 s29, $0x3800;
	s29 =	sadd.s32 $0x400, s29;
	_ =	swait.ge [sflag:s21], $0x4000  }
0x39: {  	s30 =	sshra.s32 s30, $0x2;
	[sflag:s21] =	ssyncset.done $0x0  }
0x3a: {  	s31 =	sadd.s32 $0x15000, s30;
	[sflag:s21] =	ssyncadd.s32 $0xFFFFC000  }
0x3b: {  	[spmem:s2] =	stream.indirect.scatter.add.f32 [tilespmem:s18], [sflag:$0x3], $0x80, s31, s17, $0xb8;
	[tilespmem:$0x1E000] =	vst v63  }
0x3c: {  	_ =	swait.ge [sflag:s22], $0x4000  }
0x3d: {  	[sflag:s22] =	ssyncset.done $0x0  }
0x3e: {  	s31 =	sadd.s32 $0x15080, s30;
	[sflag:s22] =	ssyncadd.s32 $0xFFFFC000  }
0x3f: {  	[spmem:s2] =	stream.indirect.scatter.add.f32 [tilespmem:s20], [sflag:$0x4], $0x80, s31, s17, $0xb8;
	[tilespmem:$0x1E000] =	vst v63  }
0x40: {  	_ =	swait.ge [sflag:s23], $0x4000  }
0x41: {  	[sflag:s23] =	ssyncset.done $0x0  }
.Ltmp0:
0x42: {  	s31 =	sadd.s32 $0x14100, s30;
	[sflag:s23] =	ssyncadd.s32 $0xFFFFC000;
	(pc) =	sbr.rel @p0 .LBB2_3-.Ltmp0, $4  }
0x43: {  	[tilespmem:s18], [sflag:$0x1] =	stream.indirect.gather [hbm4b:s5+s17], $0x80, s31, s17, $0xb8;
	[tilespmem:$0x1E000] =	vst v63  }
0x44: {  	_ =	swait.ge [sflag:s24], $0x4000  }
0x45: {  	[sflag:s24] =	ssyncset.done $0x0  }
0x46: {  	s30 =	sadd.s32 $0x14180, s30;
	[sflag:s24] =	ssyncadd.s32 $0xFFFFC000  }
0x47: {  	[tilespmem:s20], [sflag:$0x2] =	stream.indirect.gather [hbm4b:s5+s17], $0x80, s30, s17, $0xb8;
	[tilespmem:$0x1E000] =	vst v63  }
0x48: {  	_ =	swait.ge [sflag:s21], $0x4000  }
0x49: {  	[sflag:s21] =	ssyncset.done $0x0  }
0x4a: {  	[sflag:s21] =	ssyncadd.s32 $0xFFFFC000  }
0x4b: {  	[spmem:s2] =	stream.indirect.scatter.add.f32 [tilespmem:s18], [sflag:$0x3], $0x80, s25, s17, $0xb8;
	[tilespmem:$0x1E000] =	vst v63  }
0x4c: {  	_ =	swait.ge [sflag:s22], $0x4000  }
0x4d: {  	[sflag:s22] =	ssyncset.done $0x0  }
0x4e: {  	s28 =	sadd.s32 $0x1, s28;
	[sflag:s22] =	ssyncadd.s32 $0xFFFFC000  }
0x4f: {  	[spmem:s2] =	stream.indirect.scatter.add.f32 [tilespmem:s20], [sflag:$0x4], $0x80, s26, s17, $0xb8;
	[tilespmem:$0x1E000] =	vst v63  }
0x50: {  	p0 =	sne.s32 s28, $0x5;
	_ =	swait.ge [sflag:s23], $0x4000  }
.Ltmp1:
0x51: {  	[sflag:s23] =	ssyncset.done $0x0;
	(pc) =	sbr.rel @p0 .LBB2_2-.Ltmp1, $4  }
0x52: {  	[sflag:s23] =	ssyncadd.s32 $0xFFFFC000  }
0x53: {  	_ =	swait.ge [sflag:s24], $0x4000  }
0x54: {  	[sflag:s24] =	ssyncset.done $0x0  }
0x55: {  	[sflag:s24] =	ssyncadd.s32 $0xFFFFC000  }
0x56: {  	s4 =	sadd.s32 $0x1, s4  }
0x57: {  	p0 =	sne.s32 s4, s12  }
.Ltmp2:
0x58: {  	[bflag:$0x0] =	sbarrier.arrive $0xFFFF;
	(pc) =	sbr.rel @p0 .LBB2_1-.Ltmp2, $4  }
0x59: {  	[hbm:s11], [sflag:s9] =	dma.local [spmem:s13], $0x2800  }
0x5a: {  	_ =	swait.ge [sflag:s14], $0x2800  }
0x5b: {  	[sflag:s14] =	ssyncset.done $0x0  }
0x5c: {  	[sflag:s14] =	ssyncadd.s32 $0xFFFFD800  }
0x5d: {  	_ =	sfence.sel $0x180000  }
0x5e: {  	[bflag:$0x0] =	sbarrier.arrive $0xFFFF  }
0x5f: {  	p0 =	sne.s32 s3, $0x0;
	_ =	strace $0x9000004A  }
0x60: {  	s0 =	sadd.s32 @!p0 $0x100000, s0;
	[bflag:$0x2] =	sbarrier.arrive $0xFFFF  }
0x61: {  	[sflag:s0] =	ssyncadd.tile.s32 @!p0 $0x1;
	_ =	shalt  }
.Lfunc_end2:
_tile_overlayer_lowered:
.L_overlay_start_2:
0x62: {  	(tag) =	ssettag $0x2  }
0x63: {  	s0 =	rddreg [dreg:$0x0];
	s2 =	stileid.u32  }
0x64: {  	s1 =	rddreg [dreg:$0x1];
	p0 =	sne.s32 s2, $0x0  }
0x65: {  	s3 =	rddreg [dreg:$0x2];
	[bflag:$0x3] =	sbarrier.arrive $0xFFFF;
	s2 =	simm.s32 @!p0 $0x1C05  }
0x66: {  	[timem:s3], [sflag:s2] =	dma.local @!p0 [hbm:s0], s1  }
0x67: {  	s0 =	simm.s32 @!p0 $0x5  }
0x68: {  	_ =	swait.ge @!p0 [sflag:s0], s1  }
0x69: {  	s1 =	ssub.s32 @!p0 $0x0, s1;
	[sflag:s0] =	ssyncset.done @!p0 $0x0  }
0x6a: {  	[sflag:s0] =	ssyncadd.s32 @!p0 s1  }
0x6b: {  	[bflag:$0x3] =	sbarrier.arrive $0xFFFF  }
0x6c: {  	_ =	shalt  }

// kernel: kernel.14.cloned.1.call-start
scs
__scs_entry_jumppad:
0x0: {  	(pc) =	sbr.rel $0x88, $3  }
0x1: {  	(tag) =	ssettag $0x0;
	lr =	simm.s32 $0x1  }
0x2: {  	[smem:$0x3F9B] =	sst lr;
	_ =	strace $0xD0000000  }
0x3: {  	_ = 	snop  }
0x4: {  	_ = 	snop  }
0x5: {  	_ = 	snop  }
0x6: {  	_ = 	snop  }
0x7: {  	_ = 	snop  }
__scs_overlays_trampoline_lowered:
0x8: {  	[smem:$0x3FAA] =	sst s0  }
0x9: {  	[smem:$0x3FAB] =	sst s1  }
0xa: {  	[smem:$0x3FAC] =	sst s2  }
0xb: {  	[smem:$0x3FAD] =	sst s3  }
0xc: {  	[smem:$0x3FAE] =	sst s4  }
0xd: {  	[smem:$0x3FAF] =	sst s5  }
0xe: {  	[smem:$0x3FB0] =	sst s6  }
0xf: {  	[smem:$0x3FB1] =	sst s7  }
0x10: {  	[smem:$0x3FB2] =	sst s8  }
0x11: {  	[smem:$0x3FB3] =	sst s9;
	s0 =	simm.s32 @!p0 $0x0  }
0x12: {  	s1 =	sld [smem:$0x3F99];
	s0 =	simm.s32 @p0 $0x1  }
0x13: {  	[smem:$0x3FB4] =	sst s0;
	s0 =	simm.s32 @!p1 $0x0  }
0x14: {  	s2 =	sld [smem:$0x3F98];
	s0 =	simm.s32 @p1 $0x1  }
0x15: {  	[smem:$0x3FB5] =	sst s0;
	s0 =	simm.s32 @!p2 $0x0  }
0x16: {  	s3 =	sld [smem:$0x3FDB];
	s0 =	simm.s32 @p2 $0x1  }
0x17: {  	s4 =	simm.s32 $0x1BF5;
	[smem:$0x3FB7] =	sst s0  }
0x18: {  	s0 =	sld [smem:$0x3F9A];
	_ =	swait.ge [sflag:s4], $0x0  }
0x19: {  	s7 =	sld [smem:$0x3F9B]  }
0x1a: {  	s8 =	sadd.s32 $0xFFFFE003, lr  }
0x1b: {  	s9 =	sadd.s32 $0xFFFFFEF7, lr;
	s5 =	simm.s32 $0xFFFFFFFF;
	p2 =	slt.u32 s8, $0xFFFFF086  }
0x1c: {  	p1 =	slt.u32 s9, $0xF7A;
	s5 =	simm.s32 @!p2 $0x0  }
0x1d: {  	s5 =	simm.s32 @p1 $0x1;
	p0 =	seq.s32 s7, s2  }
0x1e: {  	s7 =	smul.u32 @!p0 $0xF7A, s2;
	p2 =	seq.s32 @!p0 s5, $0x0  }
0x1f: {  	s9 =	smul.u32 $0xF7A, s1;
	s8 =	simm.s32 @!p0 $0x1BF5;
	p2 =	por !p2, p0  }
0x20: {  	[sflag:s8] =	ssyncset.s32 @!p0 $0xFFFFF086;
	s6 =	sadd.s32 @!p0 s3, s7;
	s7 =	simm.s32 @!p0 $0x108  }
0x21: {  	s3 =	sadd.s32 s3, s9;
	s6 =	sadd.s32 @!p0 $0x88, s6;
	s7 =	simm.s32 @p2 $0x1082  }
0x22: {  	[simem:s7], [sflag:s8] =	dma.local @!p0 [hbm:s6], $0xF7A  }
0x23: {  	s9 =	sor.u32 $0xD0000000, s2;
	s6 =	simm.s32 $0x108;
	_ =	swait.ge @!p0 [sflag:s8], $0x0  }
0x24: {  	s3 =	sadd.s32 $0x88, s3;
	s6 =	simm.s32 @!p1 $0x1082;
	[sflag:s4] =	ssyncset.s32 $0xFFFFF086  }
0x25: {  	[simem:s6], [sflag:s4] =	dma.local [hbm:s3], $0xF7A  }
0x26: {  	[smem:$0x3F9B] =	sst s1;
	(tag) =	ssettag s2;
	_ =	strace s9  }
0x27: {  	s1 =	sld [smem:$0x3FAB]  }
0x28: {  	s2 =	sld [smem:$0x3FAC]  }
0x29: {  	s4 =	sld [smem:$0x3FAE]  }
0x2a: {  	p0 =	seq.s32 s5, $0x0;
	s5 =	sld [smem:$0x3FAF]  }
0x2b: {  	s6 =	sld [smem:$0x3FB0]  }
0x2c: {  	s7 =	sld [smem:$0x3FB1]  }
0x2d: {  	s3 =	simm.s32 $0x108;
	s8 =	sld [smem:$0x3FB2]  }
0x2e: {  	s3 =	simm.s32 @!p0 $0x1082;
	s9 =	sld [smem:$0x3FB3]  }
0x2f: {  	lr =	sadd.s32 s0, s3;
	s0 =	sld [smem:$0x3FAA]  }
0x30: {  	s3 =	sld [smem:$0x3FAD]  }
0x31: {  	[smem:$0x3FB6] =	sst s10  }
0x32: {  	s10 =	sld [smem:$0x3FB4];
	_ =	sdelay $0x3  }
0x33: {  	p0 =	seq.s32 s10, $0x1;
	s10 =	sld [smem:$0x3FB6];
	_ =	sdelay $0x3  }
0x34: {  	[smem:$0x3FB6] =	sst s10  }
0x35: {  	s10 =	sld [smem:$0x3FB5];
	_ =	sdelay $0x3  }
0x36: {  	p1 =	seq.s32 s10, $0x1;
	s10 =	sld [smem:$0x3FB6];
	_ =	sdelay $0x3  }
0x37: {  	[smem:$0x3FB6] =	sst s10  }
0x38: {  	s10 =	sld [smem:$0x3FB7]  }
0x39: {  	_ = 	snop;
	(pc) =	sbr.ind lr, $3  }
0x3a: {  	_ = 	snop  }
0x3b: {  	_ = 	snop  }
0x3c: {  	p2 =	seq.s32 s10, $0x1;
	s10 =	sld [smem:$0x3FB6]  }
0x3d: {  	_ =	shalt  }
0x3e: {  	_ =	shalt  }
0x3f: {  	_ =	shalt  }
0x40: {  	_ =	shalt  }
0x41: {  	_ =	shalt  }
0x42: {  	_ =	shalt  }
0x43: {  	_ =	shalt  }
0x44: {  	_ =	shalt  }
0x45: {  	_ =	shalt  }
0x46: {  	_ =	shalt  }
0x47: {  	_ =	shalt  }
0x48: {  	_ =	shalt  }
0x49: {  	_ =	shalt  }
0x4a: {  	_ =	shalt  }
0x4b: {  	_ =	shalt  }
0x4c: {  	_ =	shalt  }
0x4d: {  	_ =	shalt  }
0x4e: {  	_ =	shalt  }
0x4f: {  	_ =	shalt  }
0x50: {  	_ =	shalt  }
0x51: {  	_ =	shalt  }
0x52: {  	_ =	shalt  }
0x53: {  	_ =	shalt  }
0x54: {  	_ =	shalt  }
0x55: {  	_ =	shalt  }
0x56: {  	_ =	shalt  }
0x57: {  	_ =	shalt  }
0x58: {  	_ =	shalt  }
0x59: {  	_ =	shalt  }
0x5a: {  	_ =	shalt  }
0x5b: {  	_ =	shalt  }
0x5c: {  	_ =	shalt  }
0x5d: {  	_ =	shalt  }
0x5e: {  	_ =	shalt  }
0x5f: {  	_ =	shalt  }
0x60: {  	_ =	shalt  }
0x61: {  	_ =	shalt  }
0x62: {  	_ =	shalt  }
0x63: {  	_ =	shalt  }
0x64: {  	_ =	shalt  }
0x65: {  	_ =	shalt  }
0x66: {  	_ =	shalt  }
0x67: {  	_ =	shalt  }
0x68: {  	_ =	shalt  }
0x69: {  	_ =	shalt  }
0x6a: {  	_ =	shalt  }
0x6b: {  	_ =	shalt  }
0x6c: {  	_ =	shalt  }
0x6d: {  	_ =	shalt  }
0x6e: {  	_ =	shalt  }
0x6f: {  	_ =	shalt  }
0x70: {  	_ =	shalt  }
0x71: {  	_ =	shalt  }
0x72: {  	_ =	shalt  }
0x73: {  	_ =	shalt  }
0x74: {  	_ =	shalt  }
0x75: {  	_ =	shalt  }
0x76: {  	_ =	shalt  }
0x77: {  	_ =	shalt  }
0x78: {  	_ =	shalt  }
0x79: {  	_ =	shalt  }
0x7a: {  	_ =	shalt  }
0x7b: {  	_ =	shalt  }
0x7c: {  	_ =	shalt  }
0x7d: {  	_ =	shalt  }
0x7e: {  	_ =	shalt  }
0x7f: {  	_ =	shalt  }
0x80: {  	_ =	shalt  }
0x81: {  	_ =	shalt  }
0x82: {  	_ =	shalt  }
0x83: {  	_ =	shalt  }
0x84: {  	_ =	shalt  }
0x85: {  	_ =	shalt  }
0x86: {  	_ =	shalt  }
0x87: {  	_ =	shalt  }
.Lfunc_end0:
.L_simem_size_0:
called_computation.2_lowered:
.L_overlay_start_0:
0x88: {  	s2 =	sld [smem:$0x3FD9]  }
0x89: {  	s3 =	sld [smem:$0x3FFE];
	_ =	sdelay $0x1  }
0x8a: {  	s1 =	srdreg.scid  }
0x8b: {  	s0 =	sand.u32 $0x1, s1  }
0x8c: {  	s17 =	sshll.u32 s0, $0xA;
	s2 =	sadd.s32 s3, s2  }
0x8d: {  	s2 =	sadd.s32 s2, s17  }
0x8e: {  	[smem:$0x3FC2] =	sst s2  }
0x8f: {  	_ = 	snop  }
0x90: {  	s2 =	sld [smem:$0x3FD0];
	(tm) =	ssettm $0x1  }
0x91: {  	s18 =	sld [smem:$0x3FFB];
	_ =	sdelay $0x3  }
0x92: {  	_ =	strace s18  }
0x93: {  	s3 =	sld [smem:$0x3FFC];
	_ =	sdelay $0x3  }
0x94: {  	_ =	strace s3  }
0x95: {  	s3 =	sld [smem:$0x3FFD];
	_ =	sdelay $0x3  }
0x96: {  	_ =	strace s3  }
0x97: {  	_ =	strace $0x8FFFFFFF  }
0x98: {  	s19 =	sld [smem:$0x3FDB];
	_ =	sdelay $0x1  }
0x99: {  	s4 =	simm.s32 $_scs_section_size  }
0x9a: {  	s5 =	simm.s32 $_size__tile_overlayer_lowered;
	s6 =	simm.s32 $_tile_overlayer_lowered  }
0x9b: {  	s22 =	simm.s32 $0x1BFF;
	s21 =	sshll.u32 s6, $0x1;
	s3 =	sadd.s32 s4, s19  }
0x9c: {  	s7 =	simm.s32 $0x0;
	s20 =	sshll.u32 s5, $0x1;
	s5 =	sadd.s32 s21, s3  }
0x9d: {  	[timem:s7], [sflag:s22] =	dma.local [hbm:s5], s20  }
0x9e: {  	_ =	swait.ge [sflag:s22], s20  }
0x9f: {  	s4 =	ssub.s32 $0x0, s20;
	[sflag:s22] =	ssyncset.done $0x0  }
0xa0: {  	[sflag:s22] =	ssyncadd.s32 s4;
	_ =	sdelay $0x1  }
0xa1: {  	s23 =	simm.s32 $0x1B8B  }
0xa2: {  	_ =	swait.ge [sflag:s23], $0x1  }
0xa3: {  	[sflag:s23] =	ssyncset.done $0x0  }
0xa4: {  	s25 =	simm.s32 $0x1B8E;
	s24 =	sld [smem:$0x3FFE];
	[sflag:s23] =	ssyncadd.s32 $0xFFFFFFFF  }
0xa5: {  	s26 =	simm.s32 $execute0_lowered;
	[smem:$0x3FD2] =	sst s25  }
0xa6: {  	s5 =	sshll.u32 s26, $0x1;
	_ =	strace $0x8000004C;
	[dreg:$0x1] =	wrdreg $0xFFFFFFFF  }
0xa7: {  	s28 =	simm.s32 $_size_execute0_lowered;
	s3 =	sadd.s32 s3, s5;
	[dreg:$0x0] =	wrdreg $0x0  }
0xa8: {  	s5 =	sshll.u32 s28, $0x1;
	[dreg:$0x2] =	wrdreg s3  }
0xa9: {  	[dreg:$0x3] =	wrdreg s5  }
0xaa: {  	[dreg:$0x4] =	wrdreg $0xC0  }
0xab: {  	_ =	task [dreg:s7], $0x5FFFF  }
0xac: {  	[dreg:$0x1] =	wrdreg $0xFFFFFFFF  }
0xad: {  	[dreg:$0x0] =	wrdreg $0x60  }
0xae: {  	[dreg:$0x2] =	wrdreg s24  }
0xaf: {  	[dreg:$0x3] =	wrdreg s2  }
0xb0: {  	[dreg:$0x4] =	wrdreg $0x0  }
0xb1: {  	[dreg:$0x5] =	wrdreg $0x9  }
0xb2: {  	_ =	task.clear_ibuf [dreg:s7], $0x6FFFF;
	_ =	strace $0x9000004C  }
0xb3: {  	s29 =	simm.s32 $0x9;
	_ =	strace $0x8000004E  }
0xb4: {  	_ =	swait.ge [sflag:s29], $0x1  }
0xb5: {  	[sflag:s29] =	ssyncadd.s32 $0xFFFFFFFF  }
0xb6: {  	_ =	strace $0x9000004E  }
0xb7: {  	_ =	sfence  }
0xb8: {  	s30 =	sld [smem:$0x0];
	_ =	sdelay $0x2  }
0xb9: {  	s31 =	sshll.u32 s1, $0xD;
	s1 =	sshrl.u32 s1, $0x2  }
0xba: {  	s3 =	sand.u32 $0x4000, s31;
	s1 =	sadd.s32 s1, s30  }
0xbb: {  	s0 =	sor.u32 s3, s0;
	s1 =	sshll.u32 s1, $0x11  }
0xbc: {  	s0 =	sor.u32 s1, s0  }
0xbd: {  	s0 =	sadd.s32 $0x8F2B, s0  }
0xbe: {  	[sflag:s0] =	ssyncadd.remote.s32 $0x1  }
0xbf: {  	_ =	sfence.sel $0xFFFF  }
0xc0: {  	[dreg:$0x0] =	wrdreg $0xFFFFFFFF;
	(pc) =	sbr.abs _section_cstart, $3  }
0xc1: {  	[dreg:$0x1] =	wrdreg $0xFFFFFFFF  }
0xc2: {  	_ =	task.clear_ibuf [dreg:s7], $0x2FFFF;
	_ =	strace $0x9FFFFFFF  }
0xc3: {  	(tm) =	ssettm $0x7FFFFFFF  }
tec
execute0_lowered:
.L_overlay_start_1:
0x0: {  	(tag) =	ssettag $0x1  }
0x1: {  	s0 =	rddreg [dreg:$0x0]  }
0x2: {  	s1 =	rddreg [dreg:$0x1];
	s11 =	stileid.u32  }
0x3: {  	s3 =	srdreg.scid;
	s2 =	rddreg [dreg:$0x2]  }
0x4: {  	s13 =	simm.s32 $0x5;
	s14 =	simm.s32 $0x14000;
	s15 =	simm.s32 $0x14400  }
0x5: {  	s16 =	simm.s32 $0x80;
	s25 =	simm.s32 $0x14080;
	s26 =	simm.s32 $0x14480  }
0x6: {  	s28 =	simm.s32 $0x14200;
	s29 =	simm.s32 $0x14280;
	s4 =	smul.u32 $0x18, s11  }
0x7: {  	s30 =	simm.s32 $0x14600;
	s31 =	simm.s32 $0x14680;
	s6 =	smul.u32 $0x88, s11  }
0x8: {  	s5 =	sand.u32 $0x1, s3;
	s3 =	simm.s32 $0x0;
	s8 =	smul.u32 $0x14000, s11  }
0x9: {  	s18 =	smul.u32 $0x50000, s11;
	s10 =	sadd.s32 $0x5B600, s0;
	s21 =	sshll.u32 s11, $0x6  }
0xa: {  	s11 =	simm.s32 $0x11;
	p0 =	seq.s32 s5, $0x0;
	s17 =	smul.u32 $0x140000, s5  }
0xb: {  	[smem:$0x7FF] =	sst s3;
	s19 =	ssub.s32 $0x2, s5;
	s5 =	smul.u32 $0x50000, s5  }
0xc: {  	s4 =	sadd.s32 $0x880, s4;
	_ =	strace $0x8000004D;
	[dreg:$0x6] =	wrdreg s10  }
0xd: {  	s20 =	sshrl.u32 s19, $0x1;
	s10 =	sor.u32 $0x1C05, s21;
	[dreg:$0x4] =	wrdreg s25  }
0xe: {  	s11 =	simm.s32 @!p0 $0x3;
	[dreg:$0x5] =	wrdreg s26;
	s21 =	simm.s32 $0x3  }
0xf: {  	s25 =	simm.s32 $0x14500;
	s26 =	simm.s32 $0x14580;
	s4 =	smov.u32 @p0 s6  }
0x10: {  	s6 =	sadd.s32 s8, s17;
	s8 =	sshrl.u32 s18, $0x2;
	[dreg:$0x7] =	wrdreg s11  }
0x11: {  	s17 =	simm.s32 $0x14800;
	s18 =	simm.s32 $0x18800;
	s7 =	sshrl.u32 s4, $0x3  }
0x12: {  	s4 =	sadd.s32 $0xB600, s0;
	s6 =	sshrl.u32 s6, $0x3;
	s9 =	sshll.u32 s7, $0x7  }
0x13: {  	s8 =	sadd.s32 s8, s2;
	s7 =	sshll.u32 s7, $0xA;
	s9 =	sadd.s32 s9, s0  }
0x14: {  	s0 =	sadd.s32 s6, s0;
	s6 =	ssub.s32 s19, s20;
	s5 =	sadd.s32 s7, s5  }
0x15: {  	s7 =	sshrl.u32 s8, $0x3;
	s19 =	simm.s32 $0x1;
	s20 =	simm.s32 $0x2  }
0x16: {  	s8 =	simm.s32 $0x14780;
	s0 =	sadd.s32 $0x5DE00, s0;
	[dreg:$0xc] =	wrdreg s7  }
0x17: {  	s22 =	smax.u32 s6, $0x1;
	s23 =	sshrl.u32 s5, $0x3;
	[dreg:$0x8] =	wrdreg s0  }
0x18: {  	s24 =	sadd.s32 $0x1600, s9;
	s5 =	simm.s32 $0x14700;
	[dreg:$0x9] =	wrdreg s22  }
0x19: {  	s9 =	simm.s32 $0x0;
	[dreg:$0xa] =	wrdreg s24;
	s0 =	sadd.s32 s23, s1  }
0x1a: {  	s22 =	simm.s32 $0x14100;
	s23 =	simm.s32 $0x4;
	s24 =	simm.s32 $0x14180  }
0x1b: {  	s1 =	simm.s32 $0x14300;
	[dreg:$0xb] =	wrdreg s0;
	s0 =	simm.s32 $0x14380  }
.LBB2_1:
0x1c: {  	s6 =	rddreg [dreg:$0x6]  }
0x1d: {  	[spmem:s7], [sflag:s10] =	dma.local [hbm:s6], $0x2800  }
0x1e: {  	_ =	swait.ge [sflag:s13], $0x2800  }
0x1f: {  	[sflag:s13] =	ssyncset.done $0x0  }
0x20: {  	[sflag:s13] =	ssyncadd.s32 $0xFFFFD800  }
0x21: {  	[bflag:$0x0] =	sbarrier.arrive $0xFFFF  }
0x22: {  	s11 =	rddreg [dreg:$0xb]  }
0x23: {  	[tilespmem:s14], [sflag:$0x5] =	stream.linear.gather [hbm4b:s11+s3], $0x400, $0x38;
	[tilespmem:$0x1C800] =	vst v63  }
0x24: {  	_ =	swait.ge [sflag:s13], $0x400  }
0x25: {  	[sflag:s13] =	ssyncset.done $0x0  }
0x26: {  	s12 =	smov.u32 s10;
	s10 =	rddreg [dreg:$0xa];
	[sflag:s13] =	ssyncadd.s32 $0xFFFFFC00  }
0x27: {  	[tilespmem:s15], [sflag:$0x5] =	stream.linear.gather [hbm4b:s10+s3], $0x400, $0x38;
	[tilespmem:$0x1C800] =	vst v63  }
0x28: {  	_ =	swait.ge [sflag:s13], $0x400  }
0x29: {  	[sflag:s13] =	ssyncset.done $0x0  }
0x2a: {  	[sflag:s13] =	ssyncadd.s32 $0xFFFFFC00  }
0x2b: {  	[tilespmem:s17], [sflag:$0x1] =	stream.indirect.gather [hbm4b:s4+s16], $0x80, s14, s16, $0xb8;
	[tilespmem:$0x1C800] =	vst v63  }
0x2c: {  	s6 =	rddreg [dreg:$0x4]  }
0x2d: {  	[tilespmem:s18], [sflag:$0x2] =	stream.indirect.gather [hbm4b:s4+s16], $0x80, s6, s16, $0xb8;
	[tilespmem:$0x1C800] =	vst v63  }
0x2e: {  	_ =	swait.ge [sflag:s19], $0x4000  }
0x2f: {  	[sflag:s19] =	ssyncset.done $0x0  }
0x30: {  	[sflag:s19] =	ssyncadd.s32 $0xFFFFC000  }
0x31: {  	[spmem:s2] =	stream.indirect.scatter.add.f32 [tilespmem:s17], [sflag:$0x3], $0x80, s15, s16, $0xb8;
	[tilespmem:$0x1C800] =	vst v63  }
0x32: {  	_ =	swait.ge [sflag:s20], $0x4000  }
0x33: {  	[sflag:s20] =	ssyncset.done $0x0  }
0x34: {  	s6 =	rddreg [dreg:$0x5];
	[sflag:s20] =	ssyncadd.s32 $0xFFFFC000  }
0x35: {  	[spmem:s2] =	stream.indirect.scatter.add.f32 [tilespmem:s18], [sflag:$0x4], $0x80, s6, s16, $0xb8;
	[tilespmem:$0x1C800] =	vst v63  }
0x36: {  	_ =	swait.ge [sflag:s21], $0x4000  }
0x37: {  	[sflag:s21] =	ssyncset.done $0x0  }
0x38: {  	[sflag:s21] =	ssyncadd.s32 $0xFFFFC000  }
0x39: {  	[tilespmem:s17], [sflag:$0x1] =	stream.indirect.gather [hbm4b:s4+s16], $0x80, s22, s16, $0xb8;
	[tilespmem:$0x1C800] =	vst v63  }
0x3a: {  	_ =	swait.ge [sflag:s23], $0x4000  }
0x3b: {  	[sflag:s23] =	ssyncset.done $0x0  }
0x3c: {  	[sflag:s23] =	ssyncadd.s32 $0xFFFFC000  }
0x3d: {  	[tilespmem:s18], [sflag:$0x2] =	stream.indirect.gather [hbm4b:s4+s16], $0x80, s24, s16, $0xb8;
	[tilespmem:$0x1C800] =	vst v63  }
0x3e: {  	_ =	swait.ge [sflag:s19], $0x4000  }
0x3f: {  	[sflag:s19] =	ssyncset.done $0x0  }
0x40: {  	[sflag:s19] =	ssyncadd.s32 $0xFFFFC000  }
0x41: {  	[spmem:s2] =	stream.indirect.scatter.add.f32 [tilespmem:s17], [sflag:$0x3], $0x80, s25, s16, $0xb8;
	[tilespmem:$0x1C800] =	vst v63  }
0x42: {  	_ =	swait.ge [sflag:s20], $0x4000  }
0x43: {  	[sflag:s20] =	ssyncset.done $0x0  }
0x44: {  	[sflag:s20] =	ssyncadd.s32 $0xFFFFC000  }
0x45: {  	[spmem:s2] =	stream.indirect.scatter.add.f32 [tilespmem:s18], [sflag:$0x4], $0x80, s26, s16, $0xb8;
	[tilespmem:$0x1C800] =	vst v63  }
0x46: {  	_ =	swait.ge [sflag:s21], $0x4000  }
0x47: {  	[sflag:s21] =	ssyncset.done $0x0  }
0x48: {  	[sflag:s21] =	ssyncadd.s32 $0xFFFFC000  }
0x49: {  	[tilespmem:s17], [sflag:$0x1] =	stream.indirect.gather [hbm4b:s4+s16], $0x80, s28, s16, $0xb8;
	[tilespmem:$0x1C800] =	vst v63  }
0x4a: {  	_ =	swait.ge [sflag:s23], $0x4000  }
0x4b: {  	[sflag:s23] =	ssyncset.done $0x0  }
0x4c: {  	[sflag:s23] =	ssyncadd.s32 $0xFFFFC000  }
0x4d: {  	[tilespmem:s18], [sflag:$0x2] =	stream.indirect.gather [hbm4b:s4+s16], $0x80, s29, s16, $0xb8;
	[tilespmem:$0x1C800] =	vst v63  }
0x4e: {  	_ =	swait.ge [sflag:s19], $0x4000  }
0x4f: {  	[sflag:s19] =	ssyncset.done $0x0  }
0x50: {  	[sflag:s19] =	ssyncadd.s32 $0xFFFFC000  }
0x51: {  	[spmem:s2] =	stream.indirect.scatter.add.f32 [tilespmem:s17], [sflag:$0x3], $0x80, s30, s16, $0xb8;
	[tilespmem:$0x1C800] =	vst v63  }
0x52: {  	_ =	swait.ge [sflag:s20], $0x4000  }
0x53: {  	[sflag:s20] =	ssyncset.done $0x0  }
0x54: {  	[sflag:s20] =	ssyncadd.s32 $0xFFFFC000  }
0x55: {  	[spmem:s2] =	stream.indirect.scatter.add.f32 [tilespmem:s18], [sflag:$0x4], $0x80, s31, s16, $0xb8;
	[tilespmem:$0x1C800] =	vst v63  }
0x56: {  	_ =	swait.ge [sflag:s21], $0x4000  }
0x57: {  	[sflag:s21] =	ssyncset.done $0x0  }
0x58: {  	[sflag:s21] =	ssyncadd.s32 $0xFFFFC000  }
0x59: {  	[tilespmem:s17], [sflag:$0x1] =	stream.indirect.gather [hbm4b:s4+s16], $0x80, s1, s16, $0xb8;
	[tilespmem:$0x1C800] =	vst v63  }
0x5a: {  	_ =	swait.ge [sflag:s23], $0x4000  }
0x5b: {  	[sflag:s23] =	ssyncset.done $0x0  }
0x5c: {  	[sflag:s23] =	ssyncadd.s32 $0xFFFFC000  }
0x5d: {  	[tilespmem:s18], [sflag:$0x2] =	stream.indirect.gather [hbm4b:s4+s16], $0x80, s0, s16, $0xb8;
	[tilespmem:$0x1C800] =	vst v63  }
0x5e: {  	_ =	swait.ge [sflag:s19], $0x4000  }
0x5f: {  	[sflag:s19] =	ssyncset.done $0x0  }
0x60: {  	[sflag:s19] =	ssyncadd.s32 $0xFFFFC000  }
0x61: {  	[spmem:s2] =	stream.indirect.scatter.add.f32 [tilespmem:s17], [sflag:$0x3], $0x80, s5, s16, $0xb8;
	[tilespmem:$0x1C800] =	vst v63  }
0x62: {  	_ =	swait.ge [sflag:s20], $0x4000  }
0x63: {  	[sflag:s20] =	ssyncset.done $0x0  }
0x64: {  	[sflag:s20] =	ssyncadd.s32 $0xFFFFC000  }
0x65: {  	[spmem:s2] =	stream.indirect.scatter.add.f32 [tilespmem:s18], [sflag:$0x4], $0x80, s8, s16, $0xb8;
	[tilespmem:$0x1C800] =	vst v63  }
0x66: {  	_ =	swait.ge [sflag:s21], $0x4000  }
0x67: {  	s7 =	rddreg [dreg:$0x7]  }
0x68: {  	p0 =	sne.s32 s7, $0x1  }
.Ltmp0:
0x69: {  	_ = 	snop;
	(pc) =	sbr.rel @!p0 .LBB2_3-.Ltmp0, $4  }
0x6a: {  	[sflag:s21] =	ssyncset.done $0x0  }
0x6b: {  	[sflag:s21] =	ssyncadd.s32 $0xFFFFC000  }
0x6c: {  	_ =	swait.ge [sflag:s23], $0x4000  }
0x6d: {  	s7 =	sadd.s32 $0xFFFFFFFF, s7;
	[sflag:s23] =	ssyncset.done $0x0  }
.LBB2_2:
0x6e: {  	[sflag:s23] =	ssyncadd.s32 $0xFFFFC000;
	s11 =	sadd.s32 $0x80, s11  }
0x6f: {  	[tilespmem:s14], [sflag:$0x5] =	stream.linear.gather [hbm4b:s11+s3], $0x400, $0x38;
	[tilespmem:$0x1C800] =	vst v63  }
0x70: {  	_ =	swait.ge [sflag:s13], $0x400  }
0x71: {  	[sflag:s13] =	ssyncset.done $0x0  }
0x72: {  	s10 =	sadd.s32 $0x80, s10;
	[sflag:s13] =	ssyncadd.s32 $0xFFFFFC00  }
0x73: {  	[tilespmem:s15], [sflag:$0x5] =	stream.linear.gather [hbm4b:s10+s3], $0x400, $0x38;
	[tilespmem:$0x1C800] =	vst v63  }
0x74: {  	_ =	swait.ge [sflag:s13], $0x400  }
0x75: {  	[sflag:s13] =	ssyncset.done $0x0  }
0x76: {  	[sflag:s13] =	ssyncadd.s32 $0xFFFFFC00  }
0x77: {  	[tilespmem:s17], [sflag:$0x1] =	stream.indirect.gather [hbm4b:s4+s16], $0x80, s14, s16, $0xb8;
	[tilespmem:$0x1C800] =	vst v63  }
0x78: {  	s6 =	rddreg [dreg:$0x4]  }
0x79: {  	[tilespmem:s18], [sflag:$0x2] =	stream.indirect.gather [hbm4b:s4+s16], $0x80, s6, s16, $0xb8;
	[tilespmem:$0x1C800] =	vst v63  }
0x7a: {  	_ =	swait.ge [sflag:s19], $0x4000  }
0x7b: {  	[sflag:s19] =	ssyncset.done $0x0  }
0x7c: {  	[sflag:s19] =	ssyncadd.s32 $0xFFFFC000  }
0x7d: {  	[spmem:s2] =	stream.indirect.scatter.add.f32 [tilespmem:s17], [sflag:$0x3], $0x80, s15, s16, $0xb8;
	[tilespmem:$0x1C800] =	vst v63  }
0x7e: {  	_ =	swait.ge [sflag:s20], $0x4000  }
0x7f: {  	[sflag:s20] =	ssyncset.done $0x0  }
0x80: {  	s6 =	rddreg [dreg:$0x5];
	[sflag:s20] =	ssyncadd.s32 $0xFFFFC000  }
0x81: {  	[spmem:s2] =	stream.indirect.scatter.add.f32 [tilespmem:s18], [sflag:$0x4], $0x80, s6, s16, $0xb8;
	[tilespmem:$0x1C800] =	vst v63  }
0x82: {  	_ =	swait.ge [sflag:s21], $0x4000  }
0x83: {  	[sflag:s21] =	ssyncset.done $0x0  }
0x84: {  	[sflag:s21] =	ssyncadd.s32 $0xFFFFC000  }
0x85: {  	[tilespmem:s17], [sflag:$0x1] =	stream.indirect.gather [hbm4b:s4+s16], $0x80, s22, s16, $0xb8;
	[tilespmem:$0x1C800] =	vst v63  }
0x86: {  	_ =	swait.ge [sflag:s23], $0x4000  }
0x87: {  	[sflag:s23] =	ssyncset.done $0x0  }
0x88: {  	[sflag:s23] =	ssyncadd.s32 $0xFFFFC000  }
0x89: {  	[tilespmem:s18], [sflag:$0x2] =	stream.indirect.gather [hbm4b:s4+s16], $0x80, s24, s16, $0xb8;
	[tilespmem:$0x1C800] =	vst v63  }
0x8a: {  	_ =	swait.ge [sflag:s19], $0x4000  }
0x8b: {  	[sflag:s19] =	ssyncset.done $0x0  }
0x8c: {  	[sflag:s19] =	ssyncadd.s32 $0xFFFFC000  }
0x8d: {  	[spmem:s2] =	stream.indirect.scatter.add.f32 [tilespmem:s17], [sflag:$0x3], $0x80, s25, s16, $0xb8;
	[tilespmem:$0x1C800] =	vst v63  }
0x8e: {  	_ =	swait.ge [sflag:s20], $0x4000  }
0x8f: {  	[sflag:s20] =	ssyncset.done $0x0  }
0x90: {  	[sflag:s20] =	ssyncadd.s32 $0xFFFFC000  }
0x91: {  	[spmem:s2] =	stream.indirect.scatter.add.f32 [tilespmem:s18], [sflag:$0x4], $0x80, s26, s16, $0xb8;
	[tilespmem:$0x1C800] =	vst v63  }
0x92: {  	_ =	swait.ge [sflag:s21], $0x4000  }
0x93: {  	[sflag:s21] =	ssyncset.done $0x0  }
0x94: {  	[sflag:s21] =	ssyncadd.s32 $0xFFFFC000  }
0x95: {  	[tilespmem:s17], [sflag:$0x1] =	stream.indirect.gather [hbm4b:s4+s16], $0x80, s28, s16, $0xb8;
	[tilespmem:$0x1C800] =	vst v63  }
0x96: {  	_ =	swait.ge [sflag:s23], $0x4000  }
0x97: {  	[sflag:s23] =	ssyncset.done $0x0  }
0x98: {  	[sflag:s23] =	ssyncadd.s32 $0xFFFFC000  }
0x99: {  	[tilespmem:s18], [sflag:$0x2] =	stream.indirect.gather [hbm4b:s4+s16], $0x80, s29, s16, $0xb8;
	[tilespmem:$0x1C800] =	vst v63  }
0x9a: {  	_ =	swait.ge [sflag:s19], $0x4000  }
0x9b: {  	[sflag:s19] =	ssyncset.done $0x0  }
0x9c: {  	[sflag:s19] =	ssyncadd.s32 $0xFFFFC000  }
0x9d: {  	[spmem:s2] =	stream.indirect.scatter.add.f32 [tilespmem:s17], [sflag:$0x3], $0x80, s30, s16, $0xb8;
	[tilespmem:$0x1C800] =	vst v63  }
0x9e: {  	_ =	swait.ge [sflag:s20], $0x4000  }
0x9f: {  	[sflag:s20] =	ssyncset.done $0x0  }
0xa0: {  	[sflag:s20] =	ssyncadd.s32 $0xFFFFC000  }
0xa1: {  	[spmem:s2] =	stream.indirect.scatter.add.f32 [tilespmem:s18], [sflag:$0x4], $0x80, s31, s16, $0xb8;
	[tilespmem:$0x1C800] =	vst v63  }
0xa2: {  	_ =	swait.ge [sflag:s21], $0x4000  }
0xa3: {  	[sflag:s21] =	ssyncset.done $0x0  }
0xa4: {  	[sflag:s21] =	ssyncadd.s32 $0xFFFFC000  }
0xa5: {  	[tilespmem:s17], [sflag:$0x1] =	stream.indirect.gather [hbm4b:s4+s16], $0x80, s1, s16, $0xb8;
	[tilespmem:$0x1C800] =	vst v63  }
0xa6: {  	_ =	swait.ge [sflag:s23], $0x4000  }
0xa7: {  	[sflag:s23] =	ssyncset.done $0x0  }
0xa8: {  	[sflag:s23] =	ssyncadd.s32 $0xFFFFC000  }
0xa9: {  	[tilespmem:s18], [sflag:$0x2] =	stream.indirect.gather [hbm4b:s4+s16], $0x80, s0, s16, $0xb8;
	[tilespmem:$0x1C800] =	vst v63  }
0xaa: {  	_ =	swait.ge [sflag:s19], $0x4000  }
0xab: {  	[sflag:s19] =	ssyncset.done $0x0  }
0xac: {  	[sflag:s19] =	ssyncadd.s32 $0xFFFFC000  }
0xad: {  	[spmem:s2] =	stream.indirect.scatter.add.f32 [tilespmem:s17], [sflag:$0x3], $0x80, s5, s16, $0xb8;
	[tilespmem:$0x1C800] =	vst v63  }
0xae: {  	_ =	swait.ge [sflag:s20], $0x4000  }
0xaf: {  	[sflag:s20] =	ssyncset.done $0x0  }
0xb0: {  	p0 =	sne.s32 s7, $0x1;
	[sflag:s20] =	ssyncadd.s32 $0xFFFFC000  }
0xb1: {  	[spmem:s2] =	stream.indirect.scatter.add.f32 [tilespmem:s18], [sflag:$0x4], $0x80, s8, s16, $0xb8;
	[tilespmem:$0x1C800] =	vst v63  }
.Ltmp1:
0xb2: {  	_ =	swait.ge [sflag:s21], $0x4000;
	(pc) =	sbr.rel @p0 .LBB2_2-.Ltmp1, $4  }
0xb3: {  	[sflag:s21] =	ssyncset.done $0x0  }
0xb4: {  	[sflag:s21] =	ssyncadd.s32 $0xFFFFC000  }
0xb5: {  	_ =	swait.ge [sflag:s23], $0x4000  }
0xb6: {  	s7 =	sadd.s32 $0xFFFFFFFF, s7;
	[sflag:s23] =	ssyncset.done $0x0  }
.LBB2_3:
0xb7: {  	[sflag:s23] =	ssyncadd.s32 $0xFFFFC000  }
0xb8: {  	[bflag:$0x0] =	sbarrier.arrive $0xFFFF  }
0xb9: {  	s6 =	rddreg [dreg:$0x8]  }
0xba: {  	s7 =	rddreg [dreg:$0xc]  }
0xbb: {  	[hbm:s6], [sflag:s12] =	dma.local [spmem:s7], $0x2800  }
0xbc: {  	_ =	swait.ge [sflag:s13], $0x2800  }
0xbd: {  	s10 =	smov.u32 s12;
	s9 =	sadd.s32 $0x1, s9;
	s12 =	rddreg [dreg:$0x9]  }
0xbe: {  	p0 =	sne.s32 s9, s12  }
.Ltmp2:
0xbf: {  	_ = 	snop;
	(pc) =	sbr.rel @p0 .LBB2_1-.Ltmp2, $3  }
0xc0: {  	_ =	sdelay $0x1  }
0xc1: {  	[sflag:s13] =	ssyncset.done $0x0  }
0xc2: {  	[sflag:s13] =	ssyncadd.s32 $0xFFFFD800  }
0xc3: {  	_ =	sfence.sel $0x180000  }
0xc4: {  	[bflag:$0x0] =	sbarrier.arrive $0xFFFF  }
0xc5: {  	_ =	strace $0x9000004D  }
0xc6: {  	s0 =	stileid.u32;
	[bflag:$0x2] =	sbarrier.arrive $0xFFFF  }
0xc7: {  	p0 =	sne.s32 s0, $0x0;
	s0 =	rddreg [dreg:$0x3]  }
0xc8: {  	s0 =	sadd.s32 @!p0 $0x100000, s0  }
0xc9: {  	[sflag:s0] =	ssyncadd.tile.s32 @!p0 $0x1;
	_ =	shalt  }
.Lfunc_end2:
_tile_overlayer_lowered:
.L_overlay_start_2:
0xca: {  	(tag) =	ssettag $0x2  }
0xcb: {  	s0 =	rddreg [dreg:$0x0];
	s2 =	stileid.u32  }
0xcc: {  	s1 =	rddreg [dreg:$0x1];
	p0 =	sne.s32 s2, $0x0  }
0xcd: {  	s3 =	rddreg [dreg:$0x2];
	[bflag:$0x3] =	sbarrier.arrive $0xFFFF;
	s2 =	simm.s32 @!p0 $0x1C05  }
0xce: {  	[timem:s3], [sflag:s2] =	dma.local @!p0 [hbm:s0], s1  }
0xcf: {  	s0 =	simm.s32 @!p0 $0x5  }
0xd0: {  	_ =	swait.ge @!p0 [sflag:s0], s1  }
0xd1: {  	s1 =	ssub.s32 @!p0 $0x0, s1;
	[sflag:s0] =	ssyncset.done @!p0 $0x0  }
0xd2: {  	[sflag:s0] =	ssyncadd.s32 @!p0 s1  }
0xd3: {  	[bflag:$0x3] =	sbarrier.arrive $0xFFFF  }
0xd4: {  	_ =	shalt  }

// kernel: kernel.8.cloned.1.call-start
scs
__scs_entry_jumppad:
0x0: {  	(pc) =	sbr.rel $0x88, $3  }
0x1: {  	(tag) =	ssettag $0x0;
	lr =	simm.s32 $0x1  }
0x2: {  	[smem:$0x3F9B] =	sst lr;
	_ =	strace $0xD0000000  }
0x3: {  	_ = 	snop  }
0x4: {  	_ = 	snop  }
0x5: {  	_ = 	snop  }
0x6: {  	_ = 	snop  }
0x7: {  	_ = 	snop  }
__scs_overlays_trampoline_lowered:
0x8: {  	[smem:$0x3FAA] =	sst s0  }
0x9: {  	[smem:$0x3FAB] =	sst s1  }
0xa: {  	[smem:$0x3FAC] =	sst s2  }
0xb: {  	[smem:$0x3FAD] =	sst s3  }
0xc: {  	[smem:$0x3FAE] =	sst s4  }
0xd: {  	[smem:$0x3FAF] =	sst s5  }
0xe: {  	[smem:$0x3FB0] =	sst s6  }
0xf: {  	[smem:$0x3FB1] =	sst s7  }
0x10: {  	[smem:$0x3FB2] =	sst s8  }
0x11: {  	[smem:$0x3FB3] =	sst s9;
	s0 =	simm.s32 @!p0 $0x0  }
0x12: {  	s1 =	sld [smem:$0x3F99];
	s0 =	simm.s32 @p0 $0x1  }
0x13: {  	[smem:$0x3FB4] =	sst s0;
	s0 =	simm.s32 @!p1 $0x0  }
0x14: {  	s2 =	sld [smem:$0x3F98];
	s0 =	simm.s32 @p1 $0x1  }
0x15: {  	[smem:$0x3FB5] =	sst s0;
	s0 =	simm.s32 @!p2 $0x0  }
0x16: {  	s3 =	sld [smem:$0x3FDB];
	s0 =	simm.s32 @p2 $0x1  }
0x17: {  	s4 =	simm.s32 $0x1BF5;
	[smem:$0x3FB7] =	sst s0  }
0x18: {  	s0 =	sld [smem:$0x3F9A];
	_ =	swait.ge [sflag:s4], $0x0  }
0x19: {  	s7 =	sld [smem:$0x3F9B]  }
0x1a: {  	s8 =	sadd.s32 $0xFFFFE003, lr  }
0x1b: {  	s9 =	sadd.s32 $0xFFFFFEF7, lr;
	s5 =	simm.s32 $0xFFFFFFFF;
	p2 =	slt.u32 s8, $0xFFFFF086  }
0x1c: {  	p1 =	slt.u32 s9, $0xF7A;
	s5 =	simm.s32 @!p2 $0x0  }
0x1d: {  	s5 =	simm.s32 @p1 $0x1;
	p0 =	seq.s32 s7, s2  }
0x1e: {  	s7 =	smul.u32 @!p0 $0xF7A, s2;
	p2 =	seq.s32 @!p0 s5, $0x0  }
0x1f: {  	s9 =	smul.u32 $0xF7A, s1;
	s8 =	simm.s32 @!p0 $0x1BF5;
	p2 =	por !p2, p0  }
0x20: {  	[sflag:s8] =	ssyncset.s32 @!p0 $0xFFFFF086;
	s6 =	sadd.s32 @!p0 s3, s7;
	s7 =	simm.s32 @!p0 $0x108  }
0x21: {  	s3 =	sadd.s32 s3, s9;
	s6 =	sadd.s32 @!p0 $0x88, s6;
	s7 =	simm.s32 @p2 $0x1082  }
0x22: {  	[simem:s7], [sflag:s8] =	dma.local @!p0 [hbm:s6], $0xF7A  }
0x23: {  	s9 =	sor.u32 $0xD0000000, s2;
	s6 =	simm.s32 $0x108;
	_ =	swait.ge @!p0 [sflag:s8], $0x0  }
0x24: {  	s3 =	sadd.s32 $0x88, s3;
	s6 =	simm.s32 @!p1 $0x1082;
	[sflag:s4] =	ssyncset.s32 $0xFFFFF086  }
0x25: {  	[simem:s6], [sflag:s4] =	dma.local [hbm:s3], $0xF7A  }
0x26: {  	[smem:$0x3F9B] =	sst s1;
	(tag) =	ssettag s2;
	_ =	strace s9  }
0x27: {  	s1 =	sld [smem:$0x3FAB]  }
0x28: {  	s2 =	sld [smem:$0x3FAC]  }
0x29: {  	s4 =	sld [smem:$0x3FAE]  }
0x2a: {  	p0 =	seq.s32 s5, $0x0;
	s5 =	sld [smem:$0x3FAF]  }
0x2b: {  	s6 =	sld [smem:$0x3FB0]  }
0x2c: {  	s7 =	sld [smem:$0x3FB1]  }
0x2d: {  	s3 =	simm.s32 $0x108;
	s8 =	sld [smem:$0x3FB2]  }
0x2e: {  	s3 =	simm.s32 @!p0 $0x1082;
	s9 =	sld [smem:$0x3FB3]  }
0x2f: {  	lr =	sadd.s32 s0, s3;
	s0 =	sld [smem:$0x3FAA]  }
0x30: {  	s3 =	sld [smem:$0x3FAD]  }
0x31: {  	[smem:$0x3FB6] =	sst s10  }
0x32: {  	s10 =	sld [smem:$0x3FB4];
	_ =	sdelay $0x3  }
0x33: {  	p0 =	seq.s32 s10, $0x1;
	s10 =	sld [smem:$0x3FB6];
	_ =	sdelay $0x3  }
0x34: {  	[smem:$0x3FB6] =	sst s10  }
0x35: {  	s10 =	sld [smem:$0x3FB5];
	_ =	sdelay $0x3  }
0x36: {  	p1 =	seq.s32 s10, $0x1;
	s10 =	sld [smem:$0x3FB6];
	_ =	sdelay $0x3  }
0x37: {  	[smem:$0x3FB6] =	sst s10  }
0x38: {  	s10 =	sld [smem:$0x3FB7]  }
0x39: {  	_ = 	snop;
	(pc) =	sbr.ind lr, $3  }
0x3a: {  	_ = 	snop  }
0x3b: {  	_ = 	snop  }
0x3c: {  	p2 =	seq.s32 s10, $0x1;
	s10 =	sld [smem:$0x3FB6]  }
0x3d: {  	_ =	shalt  }
0x3e: {  	_ =	shalt  }
0x3f: {  	_ =	shalt  }
0x40: {  	_ =	shalt  }
0x41: {  	_ =	shalt  }
0x42: {  	_ =	shalt  }
0x43: {  	_ =	shalt  }
0x44: {  	_ =	shalt  }
0x45: {  	_ =	shalt  }
0x46: {  	_ =	shalt  }
0x47: {  	_ =	shalt  }
0x48: {  	_ =	shalt  }
0x49: {  	_ =	shalt  }
0x4a: {  	_ =	shalt  }
0x4b: {  	_ =	shalt  }
0x4c: {  	_ =	shalt  }
0x4d: {  	_ =	shalt  }
0x4e: {  	_ =	shalt  }
0x4f: {  	_ =	shalt  }
0x50: {  	_ =	shalt  }
0x51: {  	_ =	shalt  }
0x52: {  	_ =	shalt  }
0x53: {  	_ =	shalt  }
0x54: {  	_ =	shalt  }
0x55: {  	_ =	shalt  }
0x56: {  	_ =	shalt  }
0x57: {  	_ =	shalt  }
0x58: {  	_ =	shalt  }
0x59: {  	_ =	shalt  }
0x5a: {  	_ =	shalt  }
0x5b: {  	_ =	shalt  }
0x5c: {  	_ =	shalt  }
0x5d: {  	_ =	shalt  }
0x5e: {  	_ =	shalt  }
0x5f: {  	_ =	shalt  }
0x60: {  	_ =	shalt  }
0x61: {  	_ =	shalt  }
0x62: {  	_ =	shalt  }
0x63: {  	_ =	shalt  }
0x64: {  	_ =	shalt  }
0x65: {  	_ =	shalt  }
0x66: {  	_ =	shalt  }
0x67: {  	_ =	shalt  }
0x68: {  	_ =	shalt  }
0x69: {  	_ =	shalt  }
0x6a: {  	_ =	shalt  }
0x6b: {  	_ =	shalt  }
0x6c: {  	_ =	shalt  }
0x6d: {  	_ =	shalt  }
0x6e: {  	_ =	shalt  }
0x6f: {  	_ =	shalt  }
0x70: {  	_ =	shalt  }
0x71: {  	_ =	shalt  }
0x72: {  	_ =	shalt  }
0x73: {  	_ =	shalt  }
0x74: {  	_ =	shalt  }
0x75: {  	_ =	shalt  }
0x76: {  	_ =	shalt  }
0x77: {  	_ =	shalt  }
0x78: {  	_ =	shalt  }
0x79: {  	_ =	shalt  }
0x7a: {  	_ =	shalt  }
0x7b: {  	_ =	shalt  }
0x7c: {  	_ =	shalt  }
0x7d: {  	_ =	shalt  }
0x7e: {  	_ =	shalt  }
0x7f: {  	_ =	shalt  }
0x80: {  	_ =	shalt  }
0x81: {  	_ =	shalt  }
0x82: {  	_ =	shalt  }
0x83: {  	_ =	shalt  }
0x84: {  	_ =	shalt  }
0x85: {  	_ =	shalt  }
0x86: {  	_ =	shalt  }
0x87: {  	_ =	shalt  }
.Lfunc_end0:
.L_simem_size_0:
called_computation_lowered:
.L_overlay_start_0:
0x88: {  	s2 =	sld [smem:$0x3FD9]  }
0x89: {  	s3 =	sld [smem:$0x3FFE];
	_ =	sdelay $0x1  }
0x8a: {  	s1 =	srdreg.scid  }
0x8b: {  	s0 =	sand.u32 $0x1, s1  }
0x8c: {  	s16 =	sshll.u32 s0, $0xA;
	s2 =	sadd.s32 s3, s2  }
0x8d: {  	s2 =	sadd.s32 s2, s16  }
0x8e: {  	[smem:$0x3FC2] =	sst s2  }
0x8f: {  	_ = 	snop  }
0x90: {  	(tm) =	ssettm $0x1  }
0x91: {  	s17 =	sld [smem:$0x3FFB];
	_ =	sdelay $0x3  }
0x92: {  	_ =	strace s17  }
0x93: {  	s2 =	sld [smem:$0x3FFC];
	_ =	sdelay $0x3  }
0x94: {  	_ =	strace s2  }
0x95: {  	s2 =	sld [smem:$0x3FFD];
	_ =	sdelay $0x3  }
0x96: {  	_ =	strace s2  }
0x97: {  	_ =	strace $0x8FFFFFFF  }
0x98: {  	s18 =	sld [smem:$0x3FDB];
	_ =	sdelay $0x1  }
0x99: {  	s19 =	simm.s32 $_scs_section_size  }
0x9a: {  	s4 =	simm.s32 $_size__tile_overlayer_lowered;
	s5 =	simm.s32 $_tile_overlayer_lowered  }
0x9b: {  	s22 =	simm.s32 $0x1BFF;
	s21 =	sshll.u32 s5, $0x1;
	s2 =	sadd.s32 s19, s18  }
0x9c: {  	s6 =	simm.s32 $0x0;
	s20 =	sshll.u32 s4, $0x1;
	s4 =	sadd.s32 s21, s2  }
0x9d: {  	[timem:s6], [sflag:s22] =	dma.local [hbm:s4], s20  }
0x9e: {  	_ =	swait.ge [sflag:s22], s20  }
0x9f: {  	s3 =	ssub.s32 $0x0, s20;
	[sflag:s22] =	ssyncset.done $0x0  }
0xa0: {  	[sflag:s22] =	ssyncadd.s32 s3;
	_ =	sdelay $0x1  }
0xa1: {  	s23 =	simm.s32 $0x1B8B  }
0xa2: {  	_ =	swait.ge [sflag:s23], $0x1  }
0xa3: {  	[sflag:s23] =	ssyncset.done $0x0  }
0xa4: {  	s25 =	simm.s32 $0x1B8E;
	s24 =	sld [smem:$0x3FFE];
	[sflag:s23] =	ssyncadd.s32 $0xFFFFFFFF  }
0xa5: {  	s26 =	simm.s32 $execute0_lowered;
	[smem:$0x3FD2] =	sst s25  }
0xa6: {  	s4 =	sshll.u32 s26, $0x1;
	_ =	strace $0x80000046;
	[dreg:$0x1] =	wrdreg $0xFFFFFFFF  }
0xa7: {  	s28 =	simm.s32 $_size_execute0_lowered;
	s2 =	sadd.s32 s2, s4;
	[dreg:$0x0] =	wrdreg $0x0  }
0xa8: {  	s4 =	sshll.u32 s28, $0x1;
	[dreg:$0x2] =	wrdreg s2  }
0xa9: {  	[dreg:$0x3] =	wrdreg s4  }
0xaa: {  	[dreg:$0x4] =	wrdreg $0xC0  }
0xab: {  	_ =	task [dreg:s6], $0x5FFFF  }
0xac: {  	[dreg:$0x1] =	wrdreg $0xFFFFFFFF  }
0xad: {  	[dreg:$0x0] =	wrdreg $0x60  }
0xae: {  	[dreg:$0x2] =	wrdreg s24  }
0xaf: {  	[dreg:$0x3] =	wrdreg $0x0  }
0xb0: {  	[dreg:$0x4] =	wrdreg $0x9  }
0xb1: {  	_ =	task.clear_ibuf [dreg:s6], $0x5FFFF;
	_ =	strace $0x90000046  }
0xb2: {  	s29 =	simm.s32 $0x9;
	_ =	strace $0x80000048  }
0xb3: {  	_ =	swait.ge [sflag:s29], $0x1  }
0xb4: {  	[sflag:s29] =	ssyncadd.s32 $0xFFFFFFFF  }
0xb5: {  	_ =	strace $0x90000048  }
0xb6: {  	_ =	sfence  }
0xb7: {  	s30 =	sld [smem:$0x0];
	_ =	sdelay $0x2  }
0xb8: {  	s31 =	sshll.u32 s1, $0xD;
	s1 =	sshrl.u32 s1, $0x2  }
0xb9: {  	s3 =	sand.u32 $0x4000, s31;
	s1 =	sadd.s32 s1, s30  }
0xba: {  	s0 =	sor.u32 s3, s0;
	s1 =	sshll.u32 s1, $0x11  }
0xbb: {  	s0 =	sor.u32 s1, s0  }
0xbc: {  	s0 =	sadd.s32 $0x8F2B, s0  }
0xbd: {  	[sflag:s0] =	ssyncadd.remote.s32 $0x1  }
0xbe: {  	_ =	sfence.sel $0xFFFF  }
0xbf: {  	[dreg:$0x0] =	wrdreg $0xFFFFFFFF;
	(pc) =	sbr.abs _section_cstart, $3  }
0xc0: {  	[dreg:$0x1] =	wrdreg $0xFFFFFFFF  }
0xc1: {  	_ =	task.clear_ibuf [dreg:s6], $0x2FFFF;
	_ =	strace $0x9FFFFFFF  }
0xc2: {  	(tm) =	ssettm $0x7FFFFFFF  }
0xc3: {  	_ =	shalt  }
tec
execute0_lowered:
.L_overlay_start_1:
0x0: {  	(tag) =	ssettag $0x1  }
0x1: {  	s6 =	rddreg [dreg:$0x0]  }
0x2: {  	s2 =	rddreg [dreg:$0x1]  }
0x3: {  	s0 =	srdreg.scid;
	s1 =	rddreg [dreg:$0x2];
	s3 =	simm.s32 $0x0  }
0x4: {  	s12 =	simm.s32 $0x280;
	s13 =	simm.s32 $0x2A80;
	s14 =	simm.s32 $0x80  }
0x5: {  	s15 =	simm.s32 $0x20;
	s7 =	sand.u32 $0x1, s0;
	s0 =	stileid.u32  }
0x6: {  	s16 =	simm.s32 $0x10;
	[smem:$0x7FF] =	sst s3;
	s4 =	smul.u32 $0x5000, s7  }
0x7: {  	s17 =	simm.s32 $0x0;
	s5 =	smul.u32 $0x500, s0;
	_ =	strace $0x80000047  }
0x8: {  	s9 =	sshll.u32 s7, $0x7;
	s10 =	smul.u32 $0xA00, s0;
	s7 =	ssub.s32 $0x2, s7  }
0x9: {  	s31 =	sshll.u32 s0, $0x6;
	s30 =	sshrl.u32 s7, $0x1;
	s4 =	sadd.s32 s5, s4  }
0xa: {  	s9 =	sor.u32 s9, s5;
	s5 =	sadd.s32 $0xB800, s6;
	s10 =	sshrl.u32 s10, $0x2  }
0xb: {  	s11 =	ssub.s32 s7, s30;
	s8 =	sadd.s32 s4, s6;
	s9 =	sshrl.u32 s9, $0x3  }
0xc: {  	s4 =	sadd.s32 $0xB600, s6;
	s10 =	sadd.s32 s10, s2;
	s9 =	sadd.s32 s9, s6  }
0xd: {  	s6 =	sor.u32 $0x1C01, s31;
	s7 =	sadd.s32 $0x1600, s8;
	s10 =	sshrl.u32 s10, $0x3  }
0xe: {  	s8 =	sadd.s32 $0xBA00, s9;
	s9 =	smax.u32 s11, $0x1;
	s11 =	simm.s32 $0x1  }
.LBB2_1:
0xf: {  	[spmem:s10], [sflag:s6] =	dma.local [hbm:s5], $0x50  }
0x10: {  	_ =	swait.ge [sflag:s11], $0x50  }
0x11: {  	[sflag:s11] =	ssyncset.done $0x0  }
0x12: {  	[sflag:s11] =	ssyncadd.s32 $0xFFFFFFB0  }
0x13: {  	[tilespmem:s12], [sflag:$0x1] =	stream.linear.gather [hbm4b:s7+s3], $0x2800, $0x38;
	[tilespmem:$0x2B00] =	vst v63  }
0x14: {  	_ =	swait.ge [sflag:s11], $0x2800  }
0x15: {  	[sflag:s11] =	ssyncset.done $0x0  }
0x16: {  	[sflag:s11] =	ssyncadd.s32 $0xFFFFD800  }
0x17: {  	[tilespmem:s13], [sflag:$0x1] =	stream.linear.gather [hbm4b:s4+s3], $0x80, $0x38;
	[tilespmem:$0x2B00] =	vst v63  }
0x18: {  	_ =	swait.ge [sflag:s11], $0x80  }
0x19: {  	[sflag:s11] =	ssyncset.done $0x0  }
0x1a: {  	[sflag:s11] =	ssyncadd.s32 $0xFFFFFF80  }
0x1b: {  	s18 =	simm.s32 $0x280;
	[bflag:$0x0] =	sbarrier.arrive $0xFFFF  }
0x1c: {  	[spmem:s2] =	stream.indirect.scatter.add.f32 [tilespmem:s13], [sflag:$0x1], $0x1, s18, s14, $0xb8;
	[tilespmem:$0x2B00] =	vst v63  }
0x1d: {  	s18 =	simm.s32 $0x200;
	_ =	swait.ge [sflag:s11], $0x80  }
.LBB2_2:
0x1e: {  	s19 =	sshra.s32 s18, $0x2;
	[sflag:s11] =	ssyncset.done $0x0;
	p0 =	sne.s32 s18, $0x9E00  }
.Ltmp0:
0x1f: {  	s19 =	sadd.s32 $0x280, s19;
	[sflag:s11] =	ssyncadd.s32 $0xFFFFFF80;
	(pc) =	sbr.rel @p0 .LBB2_2-.Ltmp0, $3  }
0x20: {  	[spmem:s2] =	stream.indirect.scatter.add.f32 [tilespmem:s13], [sflag:$0x1], $0x1, s19, s14, $0xb8;
	[tilespmem:$0x2B00] =	vst v63  }
0x21: {  	s18 =	sadd.s32 $0x200, s18;
	_ =	sdelay $0x1  }
0x22: {  	_ =	swait.ge [sflag:s11], $0x80  }
0x23: {  	[sflag:s11] =	ssyncset.done $0x0;
	s17 =	sadd.s32 $0x1, s17  }
0x24: {  	[sflag:s11] =	ssyncadd.s32 $0xFFFFFF80;
	p0 =	sne.s32 s17, s9  }
.Ltmp1:
0x25: {  	[bflag:$0x0] =	sbarrier.arrive $0xFFFF;
	(pc) =	sbr.rel @p0 .LBB2_1-.Ltmp1, $4  }
0x26: {  	[hbm:s8@s15], [sflag:s6] =	dma.strided [spmem:s10@s16], $0x50, s11, $0x10   }
0x27: {  	_ =	swait.ge [sflag:s11], $0x50  }
0x28: {  	[sflag:s11] =	ssyncset.done $0x0  }
0x29: {  	[sflag:s11] =	ssyncadd.s32 $0xFFFFFFB0  }
0x2a: {  	_ =	sfence.sel $0x180000  }
0x2b: {  	[bflag:$0x0] =	sbarrier.arrive $0xFFFF  }
0x2c: {  	p0 =	sne.s32 s0, $0x0;
	_ =	strace $0x90000047  }
0x2d: {  	s0 =	sadd.s32 @!p0 $0x100000, s1;
	[bflag:$0x2] =	sbarrier.arrive $0xFFFF  }
0x2e: {  	[sflag:s0] =	ssyncadd.tile.s32 @!p0 $0x1;
	_ =	shalt  }
.Lfunc_end2:
_tile_overlayer_lowered:
.L_overlay_start_2:
0x2f: {  	(tag) =	ssettag $0x2  }
0x30: {  	s0 =	rddreg [dreg:$0x0];
	s2 =	stileid.u32  }
0x31: {  	s1 =	rddreg [dreg:$0x1];
	p0 =	sne.s32 s2, $0x0  }
0x32: {  	s3 =	rddreg [dreg:$0x2];
	[bflag:$0x3] =	sbarrier.arrive $0xFFFF;
	s2 =	simm.s32 @!p0 $0x1C01  }
0x33: {  	[timem:s3], [sflag:s2] =	dma.local @!p0 [hbm:s0], s1  }
0x34: {  	s0 =	simm.s32 @!p0 $0x1  }
0x35: {  	_ =	swait.ge @!p0 [sflag:s0], s1  }
0x36: {  	s1 =	ssub.s32 @!p0 $0x0, s1;
	[sflag:s0] =	ssyncset.done @!p0 $0x0  }
0x37: {  	[sflag:s0] =	ssyncadd.s32 @!p0 s1  }
0x38: {  	[bflag:$0x3] =	sbarrier.arrive $0xFFFF  }
0x39: {  	_ =	shalt  }

</sc_bundles>
